<compile_context>
chip_gen: v7x
topology: tpu7x:2x2x1
jax: 0.10.2.dev20260603
libtpu: 0.0.44.dev20260713+nightly
codegen_flags: <defaults>
</compile_context>

<pallas_src>
import math

import jax
import jax.numpy as jnp
from jax import lax
from jax.experimental import pallas as pl
from jax.experimental.pallas import tpu as pltpu
from jax.experimental.pallas import tpu_sc as plsc

NC = 2
NS = 16
NW = NC * NS
L = 16
CHUNK = 128


def _round_up(a, b):
    return (a + b - 1) // b * b


def _sc_mesh():
    return plsc.VectorSubcoreMesh(core_axis_name="c", subcore_axis_name="s")


def _slab(k):
    for s in range(min(40, k), 1, -2):
        if k % s == 0:
            return s
    return 2




def _deg_body(dst_hbm, deg_hbm, dst_v, hist_v):
    cid = lax.axis_index("c")
    sid = lax.axis_index("s")
    w = sid * NC + cid
    e_per_w = dst_hbm.shape[0] // NW
    n_pad = hist_v.shape[0]

    zeros = jnp.zeros((L,), jnp.float32)

    @pl.loop(0, n_pad, step=L)
    def _(i):
        hist_v[pl.ds(i, L)] = zeros

    pltpu.sync_copy(dst_hbm.at[pl.ds(w * e_per_w, e_per_w)], dst_v)

    ones = jnp.ones((L,), jnp.float32)

    @pl.loop(0, e_per_w, step=L)
    def _(i):
        idx = dst_v[pl.ds(i, L)]
        plsc.addupdate_scatter(hist_v, [idx], ones)

    pltpu.sync_copy(hist_v, deg_hbm.at[w])


def _degree_counts(dst_pad, n_pad):
    e_pad = dst_pad.shape[0]
    kern = pl.kernel(
        _deg_body,
        out_type=jax.ShapeDtypeStruct((NW, n_pad), jnp.float32),
        mesh=_sc_mesh(),
        scratch_types=[
            pltpu.VMEM((e_pad // NW,), jnp.int32),
            pltpu.VMEM((n_pad,), jnp.float32),
        ],
        compiler_params=pltpu.CompilerParams(needs_layout_passes=False),
    )
    return kern(dst_pad)



SHARES = 5
C0_SHARES = 4


def _agg_body(vals_hbm, src_hbm, dst_hbm, out_hbm,
              src_v, dst_v, rows0, rows1, acc_sh, sem0, sem1):
    cid = lax.axis_index("c")
    sid = lax.axis_index("s")
    n_pad, d = acc_sh.shape
    rows_per_sub = n_pad // NS
    slab = src_v.shape[0]
    total_chunks = src_hbm.shape[0]
    k1 = (SHARES - C0_SHARES) * total_chunks // (SHARES * NS)
    k0 = C0_SHARES * total_chunks // (SHARES * NS)
    my_k = jnp.where(cid == 0, k0, k1)
    my_base = jnp.where(cid == 0, sid * k0, NS * k0 + sid * k1)

    zeros = jnp.zeros((L,), jnp.float32)

    @pl.loop(0, CHUNK)
    def _(i):
        @pl.loop(0, d, step=L)
        def _(j):
            rows0[i, pl.ds(j, L)] = zeros

    @pl.loop(0, rows_per_sub, step=CHUNK)
    def _(r):
        pltpu.sync_copy(rows0, acc_sh.at[pl.ds(sid * rows_per_sub + r, CHUNK)])

    plsc.subcore_barrier()

    @pl.loop(0, my_k // slab)
    def _(p):
        base = my_base + p * slab
        pltpu.sync_copy(src_hbm.at[pl.ds(base, slab)], src_v)
        pltpu.sync_copy(dst_hbm.at[pl.ds(base, slab)], dst_v)
        pltpu.async_copy(vals_hbm.at[src_v.at[0]], rows0, sem0)

        @pl.loop(0, slab // 2)
        def _(c2):
            i0 = 2 * c2
            i1 = i0 + 1
            pltpu.async_copy(vals_hbm.at[src_v.at[i1]], rows1, sem1)
            pltpu.make_async_copy(vals_hbm.at[src_v.at[i0]], rows0, sem0).wait()
            pltpu.sync_copy(rows0, acc_sh.at[dst_v.at[i0]], add=True)
            inext = jnp.where(i1 + 1 < slab, i1 + 1, 0)
            pltpu.async_copy(vals_hbm.at[src_v.at[inext]], rows0, sem0)
            pltpu.make_async_copy(vals_hbm.at[src_v.at[i1]], rows1, sem1).wait()
            pltpu.sync_copy(rows1, acc_sh.at[dst_v.at[i1]], add=True)

        pltpu.make_async_copy(vals_hbm.at[src_v.at[0]], rows0, sem0).wait()

    plsc.subcore_barrier()

    r0 = sid * rows_per_sub
    pltpu.sync_copy(acc_sh.at[pl.ds(r0, rows_per_sub)],
                    out_hbm.at[cid, pl.ds(r0, rows_per_sub)])


def _edge_aggregate(vals, src_2d, dst_2d):
    n_pad, d = vals.shape
    total_chunks = src_2d.shape[0]
    k0 = C0_SHARES * total_chunks // (SHARES * NS)
    k1 = (SHARES - C0_SHARES) * total_chunks // (SHARES * NS)
    slab = _slab(k0 if k1 == 0 else math.gcd(k0, k1))
    kern = pl.kernel(
        _agg_body,
        out_type=jax.ShapeDtypeStruct((NC, n_pad, d), jnp.float32),
        mesh=_sc_mesh(),
        scratch_types=[
            pltpu.VMEM((slab, CHUNK), jnp.int32),
            pltpu.VMEM((slab, CHUNK), jnp.int32),
            pltpu.VMEM((CHUNK, d), jnp.float32),
            pltpu.VMEM((CHUNK, d), jnp.float32),
            pltpu.VMEM_SHARED((n_pad, d), jnp.float32),
            pltpu.SemaphoreType.DMA,
            pltpu.SemaphoreType.DMA,
        ],
    )
    return kern(vals, src_2d, dst_2d)




def _prep_body(x_ref, deg_ref, xs_ref, dis_ref):
    ones = jnp.ones((NW, 1), jnp.float32)
    degsum = lax.dot_general(deg_ref[...], ones, (((0,), (0,)), ((), ())),
                             preferred_element_type=jnp.float32)
    dis = lax.rsqrt(degsum + 1.0)
    dis_ref[...] = dis
    xs_ref[...] = x_ref[...] * dis


def _prep(x_pad, deg_parts):
    n_pad, d_in = x_pad.shape
    br = 512
    grid = (n_pad // br,)
    return pl.pallas_call(
        _prep_body,
        grid=grid,
        in_specs=[
            pl.BlockSpec((br, d_in), lambda i: (i, 0)),
            pl.BlockSpec((NW, br), lambda i: (0, i)),
        ],
        out_specs=[
            pl.BlockSpec((br, d_in), lambda i: (i, 0)),
            pl.BlockSpec((br, 1), lambda i: (i, 0)),
        ],
        out_shape=[
            jax.ShapeDtypeStruct((n_pad, d_in), jnp.float32),
            jax.ShapeDtypeStruct((n_pad, 1), jnp.float32),
        ],
    )(x_pad, deg_parts)


def _mid_body(parts_ref, xs_ref, dis_ref, w1_ref, b1_ref, w2_ref, hs2_ref):
    dis = dis_ref[...]
    agg = (parts_ref[0] + parts_ref[1] + xs_ref[...]) * dis
    h1 = jnp.tanh(
        lax.dot_general(agg, w1_ref[...], (((1,), (0,)), ((), ())),
                        preferred_element_type=jnp.float32) + b1_ref[...])
    hs2_ref[...] = lax.dot_general(
        h1, w2_ref[...], (((1,), (0,)), ((), ())),
        preferred_element_type=jnp.float32) * dis


def _mid(parts, xs, dis, w1, b1, w2):
    n_pad, d_in = xs.shape
    d_hid = w1.shape[1]
    d_out = w2.shape[1]
    br = 512
    grid = (n_pad // br,)
    return pl.pallas_call(
        _mid_body,
        grid=grid,
        in_specs=[
            pl.BlockSpec((NC, br, d_in), lambda i: (0, i, 0)),
            pl.BlockSpec((br, d_in), lambda i: (i, 0)),
            pl.BlockSpec((br, 1), lambda i: (i, 0)),
            pl.BlockSpec((d_in, d_hid), lambda i: (0, 0)),
            pl.BlockSpec((1, d_hid), lambda i: (0, 0)),
            pl.BlockSpec((d_hid, d_out), lambda i: (0, 0)),
        ],
        out_specs=pl.BlockSpec((br, d_out), lambda i: (i, 0)),
        out_shape=jax.ShapeDtypeStruct((n_pad, d_out), jnp.float32),
    )(parts, xs, dis, w1, b1, w2)


def _final_body(parts_ref, hs2_ref, dis_ref, b2_ref, out_ref):
    out_ref[...] = ((parts_ref[0] + parts_ref[1] + hs2_ref[...])
                    * dis_ref[...] + b2_ref[...])


def _final(parts, hs2, dis, b2):
    n_pad, d_out = hs2.shape
    br = 512
    grid = (n_pad // br,)
    return pl.pallas_call(
        _final_body,
        grid=grid,
        in_specs=[
            pl.BlockSpec((NC, br, d_out), lambda i: (0, i, 0)),
            pl.BlockSpec((br, d_out), lambda i: (i, 0)),
            pl.BlockSpec((br, 1), lambda i: (i, 0)),
            pl.BlockSpec((1, d_out), lambda i: (0, 0)),
        ],
        out_specs=pl.BlockSpec((br, d_out), lambda i: (i, 0)),
        out_shape=jax.ShapeDtypeStruct((n_pad, d_out), jnp.float32),
    )(parts, hs2, dis, b2)




def kernel(x, edge_index, W1, b1, W2, b2):
    n, d_in = x.shape
    e = edge_index.shape[1]

    n_pad = _round_up(n + 1, NS * CHUNK)
    e_pad = _round_up(e, NS * CHUNK * 2 * SHARES)

    x_pad = jnp.zeros((n_pad, d_in), jnp.float32).at[:n].set(x)
    epad = jnp.full((e_pad - e,), n, jnp.int32)
    src_pad = jnp.concatenate([edge_index[0], epad])
    dst_pad = jnp.concatenate([edge_index[1], epad])
    src_2d = src_pad.reshape(-1, CHUNK)
    dst_2d = dst_pad.reshape(-1, CHUNK)

    deg_parts = _degree_counts(dst_pad, n_pad)
    xs, dis = _prep(x_pad, deg_parts)
    parts1 = _edge_aggregate(xs, src_2d, dst_2d)
    hs2 = _mid(parts1, xs, dis, W1, b1.reshape(1, -1), W2)
    parts2 = _edge_aggregate(hs2, src_2d, dst_2d)
    out_pad = _final(parts2, hs2, dis, b2.reshape(1, -1))
    return out_pad[:n]

# --- scband reference (transcript-rebuilt; emitter-appended) ---
"""Pipeline reference for scband-gcnflow-model-82351702933666 (READ-ONLY COPY).

The authoritative reference and input builder live on the scoring server;
editing this copy changes nothing except your own understanding.
"""

import jax, jax.numpy as jnp
import numpy as np

N = 10000
E = 320000
D_IN = 128
D_HID = 256
D_OUT = 128


def _xavier_uniform(key, shape):
    fan_in, fan_out = shape
    a = (6.0 / (fan_in + fan_out)) ** 0.5
    return jax.random.uniform(key, shape, jnp.float32, -a, a)


def setup_inputs(seed: int = 0) -> dict:
    key = jax.random.key(seed)
    k1, k2, k3, k4 = jax.random.split(key, 4)
    x = jax.random.normal(k1, (N, D_IN), dtype=jnp.float32)
    edge_index = jax.random.randint(k2, (2, E), 0, N, dtype=jnp.int32)
    # GCNConv layer 1: in->256, GCNConv layer 2: 256->out (weights xavier, bias zeros)
    W1 = _xavier_uniform(k3, (D_IN, D_HID))
    b1 = jnp.zeros((D_HID,), dtype=jnp.float32)
    W2 = _xavier_uniform(k4, (D_HID, D_OUT))
    b2 = jnp.zeros((D_OUT,), dtype=jnp.float32)
    return {"x": x, "edge_index": edge_index, "W1": W1, "b1": b1, "W2": W2, "b2": b2}


def _gcn_conv(x, edge_index, W, b):
    # Faithful PyG GCNConv: add self loops, linear transform, symmetric normalization,
    # scatter-add aggregation by dst, then bias.
    n = x.shape[0]
    loop = jnp.arange(n, dtype=edge_index.dtype)
    src = jnp.concatenate([edge_index[0], loop])
    dst = jnp.concatenate([edge_index[1], loop])
    h = x @ W
    ones = jnp.ones(src.shape[0], dtype=h.dtype)
    deg = jax.ops.segment_sum(ones, dst, num_segments=n)
    deg_inv_sqrt = jnp.where(deg > 0, 1.0 / jnp.sqrt(deg), 0.0)
    norm = deg_inv_sqrt[src] * deg_inv_sqrt[dst]
    msgs = h[src] * norm[:, None]
    out = jax.ops.segment_sum(msgs, dst, num_segments=n)
    return out + b


def reference(x, edge_index, W1, b1, W2, b2):
    h = _gcn_conv(x, edge_index, W1, b1)
    h = jnp.tanh(h)
    out = _gcn_conv(h, edge_index, W2, b2)
    return out

if __name__ == "__main__":
    import jax
    _d = setup_inputs()
    print(jax.jit(kernel)(*tuple(_d.values())))

</pallas_src>

<mosaic_0001>
#map = affine_map<(d0, d1) -> (0, 0)>
#map1 = affine_map<(d0, d1) -> (0, 0, 0)>
module attributes {stable_mosaic.version = 14 : i64} {
  func.func @_agg_body(%arg0: i32, %arg1: i32, %arg2: memref<10240x128xf32, #tpu.memory_space<hbm>>, %arg3: memref<2560x128xi32, #tpu.memory_space<hbm>>, %arg4: memref<2560x128xi32, #tpu.memory_space<hbm>>, %arg5: memref<2x10240x128xf32, #tpu.memory_space<hbm>>, %arg6: memref<32x128xi32, #tpu.memory_space<vmem>>, %arg7: memref<32x128xi32, #tpu.memory_space<vmem>>, %arg8: memref<128x128xf32, #tpu.memory_space<vmem>>, %arg9: memref<128x128xf32, #tpu.memory_space<vmem>>, %arg10: memref<10240x128xf32, #tpu.memory_space<vmem_shared>>, %arg11: memref<!tpu.dma_semaphore, #tpu.memory_space<semaphore_mem>>, %arg12: memref<!tpu.dma_semaphore, #tpu.memory_space<semaphore_mem>>) attributes {dimension_semantics = [#tpu.dimension_semantics<core_parallel>, #tpu.dimension_semantics<subcore_parallel>], iteration_bounds = array<i64: 2, 16>, scalar_prefetch = 0 : i64, scratch_operands = 7 : i64, tpu.core_type = #tpu.core_type<sc_vector_subcore>, window_params = [{transform_indices = #map}, {transform_indices = #map}, {transform_indices = #map}, {transform_indices = #map1}]} {
    %eq3A = arith.constant 0 : i32
    %eq3A_0 = arith.cmpi eq, %arg0, %eq3A : i32
    %jit3A = arith.constant 128 : i32
    %jit3A_1 = arith.constant 32 : i32
    %select_n3A = arith.select %eq3A_0, %jit3A, %jit3A_1 : i32
    %eq3A_2 = arith.constant 0 : i32
    %eq3A_3 = arith.cmpi eq, %arg0, %eq3A_2 : i32
    %mul3A = arith.constant 128 : i32
    %mul3A_4 = arith.muli %arg1, %mul3A : i32
    %mul3A_5 = arith.constant 32 : i32
    %mul3A_6 = arith.muli %arg1, %mul3A_5 : i32
    %add3A = arith.constant 2048 : i32
    %add3A_7 = arith.addi %add3A, %mul3A_6 : i32
    %select_n3A_8 = arith.select %eq3A_3, %mul3A_4, %add3A_7 : i32
    %broadcast_in_dim3A = arith.constant 0.000000e+00 : f32
    %broadcast_in_dim3A_9 = vector.broadcast %broadcast_in_dim3A : f32 to vector<16xf32>
    %scan3A = arith.constant 0 : i32
    %scan3A_10 = arith.constant 128 : i32
    %scan3A_11 = arith.addi %scan3A, %scan3A_10 : i32
    %scan3A_12 = arith.constant 1 : i32
    scf.for %scan3A_58 = %scan3A to %scan3A_11 step %scan3A_12  : i32 {
      %mul3A_59 = arith.constant 1 : i32
      %mul3A_60 = arith.muli %scan3A_58, %mul3A_59 : i32
      %add3A_61 = arith.constant 0 : i32
      %add3A_62 = arith.addi %add3A_61, %mul3A_60 : i32
      %scan3A_63 = arith.constant 0 : i32
      %scan3A_64 = arith.constant 8 : i32
      %scan3A_65 = arith.addi %scan3A_63, %scan3A_64 : i32
      %scan3A_66 = arith.constant 1 : i32
      scf.for %scan3A_68 = %scan3A_63 to %scan3A_65 step %scan3A_66  : i32 {
        %mul3A_69 = arith.constant 16 : i32
        %mul3A_70 = arith.muli %scan3A_68, %mul3A_69 : i32
        %add3A_71 = arith.constant 0 : i32
        %add3A_72 = arith.addi %add3A_71, %mul3A_70 : i32
        %swap3A = arith.index_cast %add3A_62 : i32 to index
        %swap3A_73 = arith.index_cast %add3A_72 : i32 to index
        %swap3A_74 = tpu.vector_load %arg8[%swap3A, %swap3A_73] {strides = array<i32>} : memref<128x128xf32, #tpu.memory_space<vmem>>, vector<1x16xf32>,
        %swap3A_75 = vector.shape_cast %swap3A_74 : vector<1x16xf32> to vector<16xf32>
        %swap3A_76 = vector.shape_cast %broadcast_in_dim3A_9 : vector<16xf32> to vector<1x16xf32>
        tpu.vector_store %arg8[%swap3A, %swap3A_73], %swap3A_76 {strides = array<i32>} : memref<128x128xf32, #tpu.memory_space<vmem>>, vector<1x16xf32>,
      }
      %scan3A_67 = arith.constant 8 : i32
    }
    %scan3A_13 = arith.constant 128 : i32
    %scan3A_14 = arith.constant 0 : i32
    %scan3A_15 = arith.constant 5 : i32
    %scan3A_16 = arith.addi %scan3A_14, %scan3A_15 : i32
    %scan3A_17 = arith.constant 1 : i32
    scf.for %scan3A_58 = %scan3A_14 to %scan3A_16 step %scan3A_17  : i32 {
      %mul3A_59 = arith.constant 128 : i32
      %mul3A_60 = arith.muli %scan3A_58, %mul3A_59 : i32
      %add3A_61 = arith.constant 0 : i32
      %add3A_62 = arith.addi %add3A_61, %mul3A_60 : i32
      %mul3A_63 = arith.constant 640 : i32
      %mul3A_64 = arith.muli %arg1, %mul3A_63 : i32
      %add3A_65 = arith.addi %mul3A_64, %add3A_62 : i32
      "tpu.region"() ({
        %run_scoped3A = tpu.sem_alloc : memref<!tpu.dma_semaphore, #tpu.memory_space<semaphore_mem>>
        %dma_start3A = arith.constant 0 : i32
        %dma_start3A_66 = tpu.memref_slice %arg10[%add3A_65, %dma_start3A] : memref<10240x128xf32, #tpu.memory_space<vmem_shared>> -> memref<128x128xf32, #tpu.memory_space<vmem_shared>>
        %dma_start3A_67 = arith.constant 0 : i32
        %dma_start3A_68 = tpu.memref_slice %arg10[%add3A_65, %dma_start3A_67] : memref<10240x128xf32, #tpu.memory_space<vmem_shared>> -> memref<128x128xf32, #tpu.memory_space<vmem_shared>>
        tpu.enqueue_dma source(%arg8 : memref<128x128xf32, #tpu.memory_space<vmem>>) target(%dma_start3A_68 : memref<128x128xf32, #tpu.memory_space<vmem_shared>>) target_semaphore(%run_scoped3A : memref<!tpu.dma_semaphore, #tpu.memory_space<semaphore_mem>>)
        %dma_wait3A = arith.constant 0 : i32
        %dma_wait3A_69 = tpu.memref_slice %arg10[%add3A_65, %dma_wait3A] : memref<10240x128xf32, #tpu.memory_space<vmem_shared>> -> memref<128x128xf32, #tpu.memory_space<vmem_shared>>
        %dma_wait3A_70 = arith.constant 0 : i32
        %dma_wait3A_71 = tpu.memref_slice %arg10[%add3A_65, %dma_wait3A_70] : memref<10240x128xf32, #tpu.memory_space<vmem_shared>> -> memref<128x128xf32, #tpu.memory_space<vmem_shared>>
        tpu.wait_dma2 semaphore(%run_scoped3A : memref<!tpu.dma_semaphore, #tpu.memory_space<semaphore_mem>>) src(%arg8 : memref<128x128xf32, #tpu.memory_space<vmem>>) dst(%dma_wait3A_71 : memref<128x128xf32, #tpu.memory_space<vmem_shared>>)
        tpu.yield
      }) : () -> ()
    }
    %scan3A_18 = arith.constant 5 : i32
    %barrier3A = arith.constant 0 : index
    tpu.barrier barrier_id(%barrier3A)
    %jit3A_19 = arith.constant 32 : i32
    %div3A = arith.divsi %select_n3A, %jit3A_19 : i32
    %sign3A = arith.constant 0 : i32
    %sign3A_20 = arith.cmpi sgt, %select_n3A, %sign3A : i32
    %sign3A_21 = arith.extui %sign3A_20 : i1 to i32
    %sign3A_22 = arith.constant 0 : i32
    %sign3A_23 = arith.cmpi slt, %select_n3A, %sign3A_22 : i32
    %sign3A_24 = arith.extui %sign3A_23 : i1 to i32
    %sign3A_25 = arith.subi %sign3A_21, %sign3A_24 : i32
    %sign3A_26 = arith.constant 0 : i32
    %sign3A_27 = arith.cmpi sgt, %jit3A_19, %sign3A_26 : i32
    %sign3A_28 = arith.extui %sign3A_27 : i1 to i32
    %sign3A_29 = arith.constant 0 : i32
    %sign3A_30 = arith.cmpi slt, %jit3A_19, %sign3A_29 : i32
    %sign3A_31 = arith.extui %sign3A_30 : i1 to i32
    %sign3A_32 = arith.subi %sign3A_28, %sign3A_31 : i32
    %ne3A = arith.cmpi ne, %sign3A_25, %sign3A_32 : i32
    %rem3A = arith.remsi %select_n3A, %jit3A_19 : i32
    %ne3A_33 = arith.constant 0 : i32
    %ne3A_34 = arith.cmpi ne, %rem3A, %ne3A_33 : i32
    %and3A = arith.andi %ne3A, %ne3A_34 : i1
    %sub3A = arith.constant 1 : i32
    %sub3A_35 = arith.subi %div3A, %sub3A : i32
    %select_n3A_36 = arith.select %and3A, %sub3A_35, %div3A : i32
    %sub3A_37 = arith.constant 0 : i32
    %sub3A_38 = arith.subi %select_n3A_36, %sub3A_37 : i32
    %sub3A_39 = arith.constant 1 : i32
    %sub3A_40 = arith.constant 1 : i32
    %sub3A_41 = arith.subi %sub3A_39, %sub3A_40 : i32
    %add3A_42 = arith.addi %sub3A_38, %sub3A_41 : i32
    %div3A_43 = arith.constant 1 : i32
    %div3A_44 = arith.divsi %add3A_42, %div3A_43 : i32
    %while3A = arith.constant 1 : i32
    %while3A_45 = arith.constant 0 : i32
    %while3A_46 = arith.constant 0 : i32
    %while3A_47 = arith.subi %div3A_44, %while3A_46 : i32
    %while3A_48 = arith.addi %while3A_46, %while3A_47 : i32
    %while3A_49 = arith.constant 1 : i32
    %while3A_50 = arith.divsi %while3A_47, %while3A_49 : i32
    %while3A_51 = arith.muli %while3A_50, %while3A_49 : i32
    %while3A_52 = arith.addi %while3A_46, %while3A_51 : i32
    %while3A_53 = arith.constant 1 : i32
    scf.for %while3A_58 = %while3A_46 to %while3A_52 step %while3A_53  : i32 {
      %mul3A_59 = arith.muli %while3A_58, %while3A : i32
      %add3A_60 = arith.addi %while3A_45, %mul3A_59 : i32
      %mul3A_61 = arith.constant 32 : i32
      %mul3A_62 = arith.muli %add3A_60, %mul3A_61 : i32
      %add3A_63 = arith.addi %select_n3A_8, %mul3A_62 : i32
      "tpu.region"() ({
        %run_scoped3A = tpu.sem_alloc : memref<!tpu.dma_semaphore, #tpu.memory_space<semaphore_mem>>
        %dma_start3A_81 = arith.constant 0 : i32
        %dma_start3A_82 = tpu.memref_slice %arg3[%add3A_63, %dma_start3A_81] : memref<2560x128xi32, #tpu.memory_space<hbm>> -> memref<32x128xi32, #tpu.memory_space<hbm>>
        %dma_start3A_83 = arith.constant 0 : i32
        %dma_start3A_84 = tpu.memref_slice %arg3[%add3A_63, %dma_start3A_83] : memref<2560x128xi32, #tpu.memory_space<hbm>> -> memref<32x128xi32, #tpu.memory_space<hbm>>
        tpu.enqueue_dma source(%dma_start3A_84 : memref<32x128xi32, #tpu.memory_space<hbm>>) target(%arg6 : memref<32x128xi32, #tpu.memory_space<vmem>>) target_semaphore(%run_scoped3A : memref<!tpu.dma_semaphore, #tpu.memory_space<semaphore_mem>>)
        %dma_wait3A_85 = arith.constant 0 : i32
        %dma_wait3A_86 = tpu.memref_slice %arg3[%add3A_63, %dma_wait3A_85] : memref<2560x128xi32, #tpu.memory_space<hbm>> -> memref<32x128xi32, #tpu.memory_space<hbm>>
        %dma_wait3A_87 = arith.constant 0 : i32
        %dma_wait3A_88 = tpu.memref_slice %arg3[%add3A_63, %dma_wait3A_87] : memref<2560x128xi32, #tpu.memory_space<hbm>> -> memref<32x128xi32, #tpu.memory_space<hbm>>
        tpu.wait_dma2 semaphore(%run_scoped3A : memref<!tpu.dma_semaphore, #tpu.memory_space<semaphore_mem>>) src(%dma_wait3A_88 : memref<32x128xi32, #tpu.memory_space<hbm>>) dst(%arg6 : memref<32x128xi32, #tpu.memory_space<vmem>>)
        tpu.yield
      }) : () -> ()
      "tpu.region"() ({
        %run_scoped3A = tpu.sem_alloc : memref<!tpu.dma_semaphore, #tpu.memory_space<semaphore_mem>>
        %dma_start3A_81 = arith.constant 0 : i32
        %dma_start3A_82 = tpu.memref_slice %arg4[%add3A_63, %dma_start3A_81] : memref<2560x128xi32, #tpu.memory_space<hbm>> -> memref<32x128xi32, #tpu.memory_space<hbm>>
        %dma_start3A_83 = arith.constant 0 : i32
        %dma_start3A_84 = tpu.memref_slice %arg4[%add3A_63, %dma_start3A_83] : memref<2560x128xi32, #tpu.memory_space<hbm>> -> memref<32x128xi32, #tpu.memory_space<hbm>>
        tpu.enqueue_dma source(%dma_start3A_84 : memref<32x128xi32, #tpu.memory_space<hbm>>) target(%arg7 : memref<32x128xi32, #tpu.memory_space<vmem>>) target_semaphore(%run_scoped3A : memref<!tpu.dma_semaphore, #tpu.memory_space<semaphore_mem>>)
        %dma_wait3A_85 = arith.constant 0 : i32
        %dma_wait3A_86 = tpu.memref_slice %arg4[%add3A_63, %dma_wait3A_85] : memref<2560x128xi32, #tpu.memory_space<hbm>> -> memref<32x128xi32, #tpu.memory_space<hbm>>
        %dma_wait3A_87 = arith.constant 0 : i32
        %dma_wait3A_88 = tpu.memref_slice %arg4[%add3A_63, %dma_wait3A_87] : memref<2560x128xi32, #tpu.memory_space<hbm>> -> memref<32x128xi32, #tpu.memory_space<hbm>>
        tpu.wait_dma2 semaphore(%run_scoped3A : memref<!tpu.dma_semaphore, #tpu.memory_space<semaphore_mem>>) src(%dma_wait3A_88 : memref<32x128xi32, #tpu.memory_space<hbm>>) dst(%arg7 : memref<32x128xi32, #tpu.memory_space<vmem>>)
        tpu.yield
      }) : () -> ()
      %dma_start3A = arith.constant 0 : i32
      %dma_start3A_64 = arith.constant 0 : i32
      %dma_start3A_65 = tpu.memref_slice %arg6[%dma_start3A, %dma_start3A_64] : memref<32x128xi32, #tpu.memory_space<vmem>> -> memref<1x128xi32, #tpu.memory_space<vmem>>
      %dma_start3A_66 = tpu.memref_squeeze %dma_start3A_65 : memref<1x128xi32, #tpu.memory_space<vmem>> -> memref<128xi32, #tpu.memory_space<vmem>>
      %dma_start3A_67 = arith.constant 0 : i32
      %dma_start3A_68 = arith.constant 0 : i32
      %dma_start3A_69 = tpu.memref_slice %arg2[%dma_start3A_67, %dma_start3A_68] : memref<10240x128xf32, #tpu.memory_space<hbm>> -> memref<10240x128xf32, #tpu.memory_space<hbm>>
      tpu.enqueue_indirect_dma source(%dma_start3A_69 : memref<10240x128xf32, #tpu.memory_space<hbm>>) target(%arg8 : memref<128x128xf32, #tpu.memory_space<vmem>>) offsets(%dma_start3A_66 : memref<128xi32, #tpu.memory_space<vmem>>) semaphore(%arg11 : memref<!tpu.dma_semaphore, #tpu.memory_space<semaphore_mem>>)
      %scan3A_70 = arith.constant 0 : i32
      %scan3A_71 = arith.constant 16 : i32
      %scan3A_72 = arith.addi %scan3A_70, %scan3A_71 : i32
      %scan3A_73 = arith.constant 1 : i32
      scf.for %scan3A_81 = %scan3A_70 to %scan3A_72 step %scan3A_73  : i32 {
        %mul3A_82 = arith.constant 1 : i32
        %mul3A_83 = arith.muli %scan3A_81, %mul3A_82 : i32
        %add3A_84 = arith.constant 0 : i32
        %add3A_85 = arith.addi %add3A_84, %mul3A_83 : i32
        %mul3A_86 = arith.constant 2 : i32
        %mul3A_87 = arith.muli %mul3A_86, %add3A_85 : i32
        %add3A_88 = arith.constant 1 : i32
        %add3A_89 = arith.addi %mul3A_87, %add3A_88 : i32
        %dma_start3A_90 = arith.constant 0 : i32
        %dma_start3A_91 = tpu.memref_slice %arg6[%add3A_89, %dma_start3A_90] : memref<32x128xi32, #tpu.memory_space<vmem>> -> memref<1x128xi32, #tpu.memory_space<vmem>>
        %dma_start3A_92 = tpu.memref_squeeze %dma_start3A_91 : memref<1x128xi32, #tpu.memory_space<vmem>> -> memref<128xi32, #tpu.memory_space<vmem>>
        %dma_start3A_93 = arith.constant 0 : i32
        %dma_start3A_94 = arith.constant 0 : i32
        %dma_start3A_95 = tpu.memref_slice %arg2[%dma_start3A_93, %dma_start3A_94] : memref<10240x128xf32, #tpu.memory_space<hbm>> -> memref<10240x128xf32, #tpu.memory_space<hbm>>
        tpu.enqueue_indirect_dma source(%dma_start3A_95 : memref<10240x128xf32, #tpu.memory_space<hbm>>) target(%arg9 : memref<128x128xf32, #tpu.memory_space<vmem>>) offsets(%dma_start3A_92 : memref<128xi32, #tpu.memory_space<vmem>>) semaphore(%arg12 : memref<!tpu.dma_semaphore, #tpu.memory_space<semaphore_mem>>)
        %dma_wait3A_96 = arith.constant 0 : i32
        %dma_wait3A_97 = tpu.memref_slice %arg6[%mul3A_87, %dma_wait3A_96] : memref<32x128xi32, #tpu.memory_space<vmem>> -> memref<1x128xi32, #tpu.memory_space<vmem>>
        %dma_wait3A_98 = tpu.memref_squeeze %dma_wait3A_97 : memref<1x128xi32, #tpu.memory_space<vmem>> -> memref<128xi32, #tpu.memory_space<vmem>>
        %dma_wait3A_99 = arith.constant 0 : i32
        %dma_wait3A_100 = arith.constant 0 : i32
        %dma_wait3A_101 = tpu.memref_slice %arg2[%dma_wait3A_99, %dma_wait3A_100] : memref<10240x128xf32, #tpu.memory_space<hbm>> -> memref<10240x128xf32, #tpu.memory_space<hbm>>
        tpu.wait_indirect_dma semaphore(%arg11 : memref<!tpu.dma_semaphore, #tpu.memory_space<semaphore_mem>>) src(%dma_wait3A_101 : memref<10240x128xf32, #tpu.memory_space<hbm>>) dst(%arg8 : memref<128x128xf32, #tpu.memory_space<vmem>>)
        "tpu.region"() ({
          %run_scoped3A = tpu.sem_alloc : memref<!tpu.dma_semaphore, #tpu.memory_space<semaphore_mem>>
          %dma_start3A_121 = arith.constant 0 : i32
          %dma_start3A_122 = tpu.memref_slice %arg7[%mul3A_87, %dma_start3A_121] : memref<32x128xi32, #tpu.memory_space<vmem>> -> memref<1x128xi32, #tpu.memory_space<vmem>>
          %dma_start3A_123 = tpu.memref_squeeze %dma_start3A_122 : memref<1x128xi32, #tpu.memory_space<vmem>> -> memref<128xi32, #tpu.memory_space<vmem>>
          %dma_start3A_124 = arith.constant 0 : i32
          %dma_start3A_125 = arith.constant 0 : i32
          %dma_start3A_126 = tpu.memref_slice %arg10[%dma_start3A_124, %dma_start3A_125] : memref<10240x128xf32, #tpu.memory_space<vmem_shared>> -> memref<10240x128xf32, #tpu.memory_space<vmem_shared>>
          tpu.enqueue_indirect_dma source(%arg8 : memref<128x128xf32, #tpu.memory_space<vmem>>) target(%dma_start3A_126 : memref<10240x128xf32, #tpu.memory_space<vmem_shared>>) offsets(%dma_start3A_123 : memref<128xi32, #tpu.memory_space<vmem>>) semaphore(%run_scoped3A : memref<!tpu.dma_semaphore, #tpu.memory_space<semaphore_mem>>) {add = true}
          %dma_wait3A_127 = arith.constant 0 : i32
          %dma_wait3A_128 = tpu.memref_slice %arg7[%mul3A_87, %dma_wait3A_127] : memref<32x128xi32, #tpu.memory_space<vmem>> -> memref<1x128xi32, #tpu.memory_space<vmem>>
          %dma_wait3A_129 = tpu.memref_squeeze %dma_wait3A_128 : memref<1x128xi32, #tpu.memory_space<vmem>> -> memref<128xi32, #tpu.memory_space<vmem>>
          %dma_wait3A_130 = arith.constant 0 : i32
          %dma_wait3A_131 = arith.constant 0 : i32
          %dma_wait3A_132 = tpu.memref_slice %arg10[%dma_wait3A_130, %dma_wait3A_131] : memref<10240x128xf32, #tpu.memory_space<vmem_shared>> -> memref<10240x128xf32, #tpu.memory_space<vmem_shared>>
          tpu.wait_indirect_dma semaphore(%run_scoped3A : memref<!tpu.dma_semaphore, #tpu.memory_space<semaphore_mem>>) src(%arg8 : memref<128x128xf32, #tpu.memory_space<vmem>>) dst(%dma_wait3A_132 : memref<10240x128xf32, #tpu.memory_space<vmem_shared>>)
          tpu.yield
        }) : () -> ()
        %add3A_102 = arith.constant 1 : i32
        %add3A_103 = arith.addi %add3A_89, %add3A_102 : i32
        %lt3A = arith.constant 32 : i32
        %lt3A_104 = arith.cmpi slt, %add3A_103, %lt3A : i32
        %add3A_105 = arith.constant 1 : i32
        %add3A_106 = arith.addi %add3A_89, %add3A_105 : i32
        %jit3A_107 = arith.constant 0 : i32
        %select_n3A_108 = arith.select %lt3A_104, %add3A_106, %jit3A_107 : i32
        %dma_start3A_109 = arith.constant 0 : i32
        %dma_start3A_110 = tpu.memref_slice %arg6[%select_n3A_108, %dma_start3A_109] : memref<32x128xi32, #tpu.memory_space<vmem>> -> memref<1x128xi32, #tpu.memory_space<vmem>>
        %dma_start3A_111 = tpu.memref_squeeze %dma_start3A_110 : memref<1x128xi32, #tpu.memory_space<vmem>> -> memref<128xi32, #tpu.memory_space<vmem>>
        %dma_start3A_112 = arith.constant 0 : i32
        %dma_start3A_113 = arith.constant 0 : i32
        %dma_start3A_114 = tpu.memref_slice %arg2[%dma_start3A_112, %dma_start3A_113] : memref<10240x128xf32, #tpu.memory_space<hbm>> -> memref<10240x128xf32, #tpu.memory_space<hbm>>
        tpu.enqueue_indirect_dma source(%dma_start3A_114 : memref<10240x128xf32, #tpu.memory_space<hbm>>) target(%arg8 : memref<128x128xf32, #tpu.memory_space<vmem>>) offsets(%dma_start3A_111 : memref<128xi32, #tpu.memory_space<vmem>>) semaphore(%arg11 : memref<!tpu.dma_semaphore, #tpu.memory_space<semaphore_mem>>)
        %dma_wait3A_115 = arith.constant 0 : i32
        %dma_wait3A_116 = tpu.memref_slice %arg6[%add3A_89, %dma_wait3A_115] : memref<32x128xi32, #tpu.memory_space<vmem>> -> memref<1x128xi32, #tpu.memory_space<vmem>>
        %dma_wait3A_117 = tpu.memref_squeeze %dma_wait3A_116 : memref<1x128xi32, #tpu.memory_space<vmem>> -> memref<128xi32, #tpu.memory_space<vmem>>
        %dma_wait3A_118 = arith.constant 0 : i32
        %dma_wait3A_119 = arith.constant 0 : i32
        %dma_wait3A_120 = tpu.memref_slice %arg2[%dma_wait3A_118, %dma_wait3A_119] : memref<10240x128xf32, #tpu.memory_space<hbm>> -> memref<10240x128xf32, #tpu.memory_space<hbm>>
        tpu.wait_indirect_dma semaphore(%arg12 : memref<!tpu.dma_semaphore, #tpu.memory_space<semaphore_mem>>) src(%dma_wait3A_120 : memref<10240x128xf32, #tpu.memory_space<hbm>>) dst(%arg9 : memref<128x128xf32, #tpu.memory_space<vmem>>)
        "tpu.region"() ({
          %run_scoped3A = tpu.sem_alloc : memref<!tpu.dma_semaphore, #tpu.memory_space<semaphore_mem>>
          %dma_start3A_121 = arith.constant 0 : i32
          %dma_start3A_122 = tpu.memref_slice %arg7[%add3A_89, %dma_start3A_121] : memref<32x128xi32, #tpu.memory_space<vmem>> -> memref<1x128xi32, #tpu.memory_space<vmem>>
          %dma_start3A_123 = tpu.memref_squeeze %dma_start3A_122 : memref<1x128xi32, #tpu.memory_space<vmem>> -> memref<128xi32, #tpu.memory_space<vmem>>
          %dma_start3A_124 = arith.constant 0 : i32
          %dma_start3A_125 = arith.constant 0 : i32
          %dma_start3A_126 = tpu.memref_slice %arg10[%dma_start3A_124, %dma_start3A_125] : memref<10240x128xf32, #tpu.memory_space<vmem_shared>> -> memref<10240x128xf32, #tpu.memory_space<vmem_shared>>
          tpu.enqueue_indirect_dma source(%arg9 : memref<128x128xf32, #tpu.memory_space<vmem>>) target(%dma_start3A_126 : memref<10240x128xf32, #tpu.memory_space<vmem_shared>>) offsets(%dma_start3A_123 : memref<128xi32, #tpu.memory_space<vmem>>) semaphore(%run_scoped3A : memref<!tpu.dma_semaphore, #tpu.memory_space<semaphore_mem>>) {add = true}
          %dma_wait3A_127 = arith.constant 0 : i32
          %dma_wait3A_128 = tpu.memref_slice %arg7[%add3A_89, %dma_wait3A_127] : memref<32x128xi32, #tpu.memory_space<vmem>> -> memref<1x128xi32, #tpu.memory_space<vmem>>
          %dma_wait3A_129 = tpu.memref_squeeze %dma_wait3A_128 : memref<1x128xi32, #tpu.memory_space<vmem>> -> memref<128xi32, #tpu.memory_space<vmem>>
          %dma_wait3A_130 = arith.constant 0 : i32
          %dma_wait3A_131 = arith.constant 0 : i32
          %dma_wait3A_132 = tpu.memref_slice %arg10[%dma_wait3A_130, %dma_wait3A_131] : memref<10240x128xf32, #tpu.memory_space<vmem_shared>> -> memref<10240x128xf32, #tpu.memory_space<vmem_shared>>
          tpu.wait_indirect_dma semaphore(%run_scoped3A : memref<!tpu.dma_semaphore, #tpu.memory_space<semaphore_mem>>) src(%arg9 : memref<128x128xf32, #tpu.memory_space<vmem>>) dst(%dma_wait3A_132 : memref<10240x128xf32, #tpu.memory_space<vmem_shared>>)
          tpu.yield
        }) : () -> ()
      }
      %scan3A_74 = arith.constant 16 : i32
      %dma_wait3A = arith.constant 0 : i32
      %dma_wait3A_75 = arith.constant 0 : i32
      %dma_wait3A_76 = tpu.memref_slice %arg6[%dma_wait3A, %dma_wait3A_75] : memref<32x128xi32, #tpu.memory_space<vmem>> -> memref<1x128xi32, #tpu.memory_space<vmem>>
      %dma_wait3A_77 = tpu.memref_squeeze %dma_wait3A_76 : memref<1x128xi32, #tpu.memory_space<vmem>> -> memref<128xi32, #tpu.memory_space<vmem>>
      %dma_wait3A_78 = arith.constant 0 : i32
      %dma_wait3A_79 = arith.constant 0 : i32
      %dma_wait3A_80 = tpu.memref_slice %arg2[%dma_wait3A_78, %dma_wait3A_79] : memref<10240x128xf32, #tpu.memory_space<hbm>> -> memref<10240x128xf32, #tpu.memory_space<hbm>>
      tpu.wait_indirect_dma semaphore(%arg11 : memref<!tpu.dma_semaphore, #tpu.memory_space<semaphore_mem>>) src(%dma_wait3A_80 : memref<10240x128xf32, #tpu.memory_space<hbm>>) dst(%arg8 : memref<128x128xf32, #tpu.memory_space<vmem>>)
    }
    %while3A_54 = arith.constant 1 : i32
    scf.for %while3A_58 = %while3A_52 to %while3A_48 step %while3A_54  : i32 {
      %mul3A_59 = arith.muli %while3A_58, %while3A : i32
      %add3A_60 = arith.addi %while3A_45, %mul3A_59 : i32
      %mul3A_61 = arith.constant 32 : i32
      %mul3A_62 = arith.muli %add3A_60, %mul3A_61 : i32
      %add3A_63 = arith.addi %select_n3A_8, %mul3A_62 : i32
      "tpu.region"() ({
        %run_scoped3A = tpu.sem_alloc : memref<!tpu.dma_semaphore, #tpu.memory_space<semaphore_mem>>
        %dma_start3A_81 = arith.constant 0 : i32
        %dma_start3A_82 = tpu.memref_slice %arg3[%add3A_63, %dma_start3A_81] : memref<2560x128xi32, #tpu.memory_space<hbm>> -> memref<32x128xi32, #tpu.memory_space<hbm>>
        %dma_start3A_83 = arith.constant 0 : i32
        %dma_start3A_84 = tpu.memref_slice %arg3[%add3A_63, %dma_start3A_83] : memref<2560x128xi32, #tpu.memory_space<hbm>> -> memref<32x128xi32, #tpu.memory_space<hbm>>
        tpu.enqueue_dma source(%dma_start3A_84 : memref<32x128xi32, #tpu.memory_space<hbm>>) target(%arg6 : memref<32x128xi32, #tpu.memory_space<vmem>>) target_semaphore(%run_scoped3A : memref<!tpu.dma_semaphore, #tpu.memory_space<semaphore_mem>>)
        %dma_wait3A_85 = arith.constant 0 : i32
        %dma_wait3A_86 = tpu.memref_slice %arg3[%add3A_63, %dma_wait3A_85] : memref<2560x128xi32, #tpu.memory_space<hbm>> -> memref<32x128xi32, #tpu.memory_space<hbm>>
        %dma_wait3A_87 = arith.constant 0 : i32
        %dma_wait3A_88 = tpu.memref_slice %arg3[%add3A_63, %dma_wait3A_87] : memref<2560x128xi32, #tpu.memory_space<hbm>> -> memref<32x128xi32, #tpu.memory_space<hbm>>
        tpu.wait_dma2 semaphore(%run_scoped3A : memref<!tpu.dma_semaphore, #tpu.memory_space<semaphore_mem>>) src(%dma_wait3A_88 : memref<32x128xi32, #tpu.memory_space<hbm>>) dst(%arg6 : memref<32x128xi32, #tpu.memory_space<vmem>>)
        tpu.yield
      }) : () -> ()
      "tpu.region"() ({
        %run_scoped3A = tpu.sem_alloc : memref<!tpu.dma_semaphore, #tpu.memory_space<semaphore_mem>>
        %dma_start3A_81 = arith.constant 0 : i32
        %dma_start3A_82 = tpu.memref_slice %arg4[%add3A_63, %dma_start3A_81] : memref<2560x128xi32, #tpu.memory_space<hbm>> -> memref<32x128xi32, #tpu.memory_space<hbm>>
        %dma_start3A_83 = arith.constant 0 : i32
        %dma_start3A_84 = tpu.memref_slice %arg4[%add3A_63, %dma_start3A_83] : memref<2560x128xi32, #tpu.memory_space<hbm>> -> memref<32x128xi32, #tpu.memory_space<hbm>>
        tpu.enqueue_dma source(%dma_start3A_84 : memref<32x128xi32, #tpu.memory_space<hbm>>) target(%arg7 : memref<32x128xi32, #tpu.memory_space<vmem>>) target_semaphore(%run_scoped3A : memref<!tpu.dma_semaphore, #tpu.memory_space<semaphore_mem>>)
        %dma_wait3A_85 = arith.constant 0 : i32
        %dma_wait3A_86 = tpu.memref_slice %arg4[%add3A_63, %dma_wait3A_85] : memref<2560x128xi32, #tpu.memory_space<hbm>> -> memref<32x128xi32, #tpu.memory_space<hbm>>
        %dma_wait3A_87 = arith.constant 0 : i32
        %dma_wait3A_88 = tpu.memref_slice %arg4[%add3A_63, %dma_wait3A_87] : memref<2560x128xi32, #tpu.memory_space<hbm>> -> memref<32x128xi32, #tpu.memory_space<hbm>>
        tpu.wait_dma2 semaphore(%run_scoped3A : memref<!tpu.dma_semaphore, #tpu.memory_space<semaphore_mem>>) src(%dma_wait3A_88 : memref<32x128xi32, #tpu.memory_space<hbm>>) dst(%arg7 : memref<32x128xi32, #tpu.memory_space<vmem>>)
        tpu.yield
      }) : () -> ()
      %dma_start3A = arith.constant 0 : i32
      %dma_start3A_64 = arith.constant 0 : i32
      %dma_start3A_65 = tpu.memref_slice %arg6[%dma_start3A, %dma_start3A_64] : memref<32x128xi32, #tpu.memory_space<vmem>> -> memref<1x128xi32, #tpu.memory_space<vmem>>
      %dma_start3A_66 = tpu.memref_squeeze %dma_start3A_65 : memref<1x128xi32, #tpu.memory_space<vmem>> -> memref<128xi32, #tpu.memory_space<vmem>>
      %dma_start3A_67 = arith.constant 0 : i32
      %dma_start3A_68 = arith.constant 0 : i32
      %dma_start3A_69 = tpu.memref_slice %arg2[%dma_start3A_67, %dma_start3A_68] : memref<10240x128xf32, #tpu.memory_space<hbm>> -> memref<10240x128xf32, #tpu.memory_space<hbm>>
      tpu.enqueue_indirect_dma source(%dma_start3A_69 : memref<10240x128xf32, #tpu.memory_space<hbm>>) target(%arg8 : memref<128x128xf32, #tpu.memory_space<vmem>>) offsets(%dma_start3A_66 : memref<128xi32, #tpu.memory_space<vmem>>) semaphore(%arg11 : memref<!tpu.dma_semaphore, #tpu.memory_space<semaphore_mem>>)
      %scan3A_70 = arith.constant 0 : i32
      %scan3A_71 = arith.constant 16 : i32
      %scan3A_72 = arith.addi %scan3A_70, %scan3A_71 : i32
      %scan3A_73 = arith.constant 1 : i32
      scf.for %scan3A_81 = %scan3A_70 to %scan3A_72 step %scan3A_73  : i32 {
        %mul3A_82 = arith.constant 1 : i32
        %mul3A_83 = arith.muli %scan3A_81, %mul3A_82 : i32
        %add3A_84 = arith.constant 0 : i32
        %add3A_85 = arith.addi %add3A_84, %mul3A_83 : i32
        %mul3A_86 = arith.constant 2 : i32
        %mul3A_87 = arith.muli %mul3A_86, %add3A_85 : i32
        %add3A_88 = arith.constant 1 : i32
        %add3A_89 = arith.addi %mul3A_87, %add3A_88 : i32
        %dma_start3A_90 = arith.constant 0 : i32
        %dma_start3A_91 = tpu.memref_slice %arg6[%add3A_89, %dma_start3A_90] : memref<32x128xi32, #tpu.memory_space<vmem>> -> memref<1x128xi32, #tpu.memory_space<vmem>>
        %dma_start3A_92 = tpu.memref_squeeze %dma_start3A_91 : memref<1x128xi32, #tpu.memory_space<vmem>> -> memref<128xi32, #tpu.memory_space<vmem>>
        %dma_start3A_93 = arith.constant 0 : i32
        %dma_start3A_94 = arith.constant 0 : i32
        %dma_start3A_95 = tpu.memref_slice %arg2[%dma_start3A_93, %dma_start3A_94] : memref<10240x128xf32, #tpu.memory_space<hbm>> -> memref<10240x128xf32, #tpu.memory_space<hbm>>
        tpu.enqueue_indirect_dma source(%dma_start3A_95 : memref<10240x128xf32, #tpu.memory_space<hbm>>) target(%arg9 : memref<128x128xf32, #tpu.memory_space<vmem>>) offsets(%dma_start3A_92 : memref<128xi32, #tpu.memory_space<vmem>>) semaphore(%arg12 : memref<!tpu.dma_semaphore, #tpu.memory_space<semaphore_mem>>)
        %dma_wait3A_96 = arith.constant 0 : i32
        %dma_wait3A_97 = tpu.memref_slice %arg6[%mul3A_87, %dma_wait3A_96] : memref<32x128xi32, #tpu.memory_space<vmem>> -> memref<1x128xi32, #tpu.memory_space<vmem>>
        %dma_wait3A_98 = tpu.memref_squeeze %dma_wait3A_97 : memref<1x128xi32, #tpu.memory_space<vmem>> -> memref<128xi32, #tpu.memory_space<vmem>>
        %dma_wait3A_99 = arith.constant 0 : i32
        %dma_wait3A_100 = arith.constant 0 : i32
        %dma_wait3A_101 = tpu.memref_slice %arg2[%dma_wait3A_99, %dma_wait3A_100] : memref<10240x128xf32, #tpu.memory_space<hbm>> -> memref<10240x128xf32, #tpu.memory_space<hbm>>
        tpu.wait_indirect_dma semaphore(%arg11 : memref<!tpu.dma_semaphore, #tpu.memory_space<semaphore_mem>>) src(%dma_wait3A_101 : memref<10240x128xf32, #tpu.memory_space<hbm>>) dst(%arg8 : memref<128x128xf32, #tpu.memory_space<vmem>>)
        "tpu.region"() ({
          %run_scoped3A = tpu.sem_alloc : memref<!tpu.dma_semaphore, #tpu.memory_space<semaphore_mem>>
          %dma_start3A_121 = arith.constant 0 : i32
          %dma_start3A_122 = tpu.memref_slice %arg7[%mul3A_87, %dma_start3A_121] : memref<32x128xi32, #tpu.memory_space<vmem>> -> memref<1x128xi32, #tpu.memory_space<vmem>>
          %dma_start3A_123 = tpu.memref_squeeze %dma_start3A_122 : memref<1x128xi32, #tpu.memory_space<vmem>> -> memref<128xi32, #tpu.memory_space<vmem>>
          %dma_start3A_124 = arith.constant 0 : i32
          %dma_start3A_125 = arith.constant 0 : i32
          %dma_start3A_126 = tpu.memref_slice %arg10[%dma_start3A_124, %dma_start3A_125] : memref<10240x128xf32, #tpu.memory_space<vmem_shared>> -> memref<10240x128xf32, #tpu.memory_space<vmem_shared>>
          tpu.enqueue_indirect_dma source(%arg8 : memref<128x128xf32, #tpu.memory_space<vmem>>) target(%dma_start3A_126 : memref<10240x128xf32, #tpu.memory_space<vmem_shared>>) offsets(%dma_start3A_123 : memref<128xi32, #tpu.memory_space<vmem>>) semaphore(%run_scoped3A : memref<!tpu.dma_semaphore, #tpu.memory_space<semaphore_mem>>) {add = true}
          %dma_wait3A_127 = arith.constant 0 : i32
          %dma_wait3A_128 = tpu.memref_slice %arg7[%mul3A_87, %dma_wait3A_127] : memref<32x128xi32, #tpu.memory_space<vmem>> -> memref<1x128xi32, #tpu.memory_space<vmem>>
          %dma_wait3A_129 = tpu.memref_squeeze %dma_wait3A_128 : memref<1x128xi32, #tpu.memory_space<vmem>> -> memref<128xi32, #tpu.memory_space<vmem>>
          %dma_wait3A_130 = arith.constant 0 : i32
          %dma_wait3A_131 = arith.constant 0 : i32
          %dma_wait3A_132 = tpu.memref_slice %arg10[%dma_wait3A_130, %dma_wait3A_131] : memref<10240x128xf32, #tpu.memory_space<vmem_shared>> -> memref<10240x128xf32, #tpu.memory_space<vmem_shared>>
          tpu.wait_indirect_dma semaphore(%run_scoped3A : memref<!tpu.dma_semaphore, #tpu.memory_space<semaphore_mem>>) src(%arg8 : memref<128x128xf32, #tpu.memory_space<vmem>>) dst(%dma_wait3A_132 : memref<10240x128xf32, #tpu.memory_space<vmem_shared>>)
          tpu.yield
        }) : () -> ()
        %add3A_102 = arith.constant 1 : i32
        %add3A_103 = arith.addi %add3A_89, %add3A_102 : i32
        %lt3A = arith.constant 32 : i32
        %lt3A_104 = arith.cmpi slt, %add3A_103, %lt3A : i32
        %add3A_105 = arith.constant 1 : i32
        %add3A_106 = arith.addi %add3A_89, %add3A_105 : i32
        %jit3A_107 = arith.constant 0 : i32
        %select_n3A_108 = arith.select %lt3A_104, %add3A_106, %jit3A_107 : i32
        %dma_start3A_109 = arith.constant 0 : i32
        %dma_start3A_110 = tpu.memref_slice %arg6[%select_n3A_108, %dma_start3A_109] : memref<32x128xi32, #tpu.memory_space<vmem>> -> memref<1x128xi32, #tpu.memory_space<vmem>>
        %dma_start3A_111 = tpu.memref_squeeze %dma_start3A_110 : memref<1x128xi32, #tpu.memory_space<vmem>> -> memref<128xi32, #tpu.memory_space<vmem>>
        %dma_start3A_112 = arith.constant 0 : i32
        %dma_start3A_113 = arith.constant 0 : i32
        %dma_start3A_114 = tpu.memref_slice %arg2[%dma_start3A_112, %dma_start3A_113] : memref<10240x128xf32, #tpu.memory_space<hbm>> -> memref<10240x128xf32, #tpu.memory_space<hbm>>
        tpu.enqueue_indirect_dma source(%dma_start3A_114 : memref<10240x128xf32, #tpu.memory_space<hbm>>) target(%arg8 : memref<128x128xf32, #tpu.memory_space<vmem>>) offsets(%dma_start3A_111 : memref<128xi32, #tpu.memory_space<vmem>>) semaphore(%arg11 : memref<!tpu.dma_semaphore, #tpu.memory_space<semaphore_mem>>)
        %dma_wait3A_115 = arith.constant 0 : i32
        %dma_wait3A_116 = tpu.memref_slice %arg6[%add3A_89, %dma_wait3A_115] : memref<32x128xi32, #tpu.memory_space<vmem>> -> memref<1x128xi32, #tpu.memory_space<vmem>>
        %dma_wait3A_117 = tpu.memref_squeeze %dma_wait3A_116 : memref<1x128xi32, #tpu.memory_space<vmem>> -> memref<128xi32, #tpu.memory_space<vmem>>
        %dma_wait3A_118 = arith.constant 0 : i32
        %dma_wait3A_119 = arith.constant 0 : i32
        %dma_wait3A_120 = tpu.memref_slice %arg2[%dma_wait3A_118, %dma_wait3A_119] : memref<10240x128xf32, #tpu.memory_space<hbm>> -> memref<10240x128xf32, #tpu.memory_space<hbm>>
        tpu.wait_indirect_dma semaphore(%arg12 : memref<!tpu.dma_semaphore, #tpu.memory_space<semaphore_mem>>) src(%dma_wait3A_120 : memref<10240x128xf32, #tpu.memory_space<hbm>>) dst(%arg9 : memref<128x128xf32, #tpu.memory_space<vmem>>)
        "tpu.region"() ({
          %run_scoped3A = tpu.sem_alloc : memref<!tpu.dma_semaphore, #tpu.memory_space<semaphore_mem>>
          %dma_start3A_121 = arith.constant 0 : i32
          %dma_start3A_122 = tpu.memref_slice %arg7[%add3A_89, %dma_start3A_121] : memref<32x128xi32, #tpu.memory_space<vmem>> -> memref<1x128xi32, #tpu.memory_space<vmem>>
          %dma_start3A_123 = tpu.memref_squeeze %dma_start3A_122 : memref<1x128xi32, #tpu.memory_space<vmem>> -> memref<128xi32, #tpu.memory_space<vmem>>
          %dma_start3A_124 = arith.constant 0 : i32
          %dma_start3A_125 = arith.constant 0 : i32
          %dma_start3A_126 = tpu.memref_slice %arg10[%dma_start3A_124, %dma_start3A_125] : memref<10240x128xf32, #tpu.memory_space<vmem_shared>> -> memref<10240x128xf32, #tpu.memory_space<vmem_shared>>
          tpu.enqueue_indirect_dma source(%arg9 : memref<128x128xf32, #tpu.memory_space<vmem>>) target(%dma_start3A_126 : memref<10240x128xf32, #tpu.memory_space<vmem_shared>>) offsets(%dma_start3A_123 : memref<128xi32, #tpu.memory_space<vmem>>) semaphore(%run_scoped3A : memref<!tpu.dma_semaphore, #tpu.memory_space<semaphore_mem>>) {add = true}
          %dma_wait3A_127 = arith.constant 0 : i32
          %dma_wait3A_128 = tpu.memref_slice %arg7[%add3A_89, %dma_wait3A_127] : memref<32x128xi32, #tpu.memory_space<vmem>> -> memref<1x128xi32, #tpu.memory_space<vmem>>
          %dma_wait3A_129 = tpu.memref_squeeze %dma_wait3A_128 : memref<1x128xi32, #tpu.memory_space<vmem>> -> memref<128xi32, #tpu.memory_space<vmem>>
          %dma_wait3A_130 = arith.constant 0 : i32
          %dma_wait3A_131 = arith.constant 0 : i32
          %dma_wait3A_132 = tpu.memref_slice %arg10[%dma_wait3A_130, %dma_wait3A_131] : memref<10240x128xf32, #tpu.memory_space<vmem_shared>> -> memref<10240x128xf32, #tpu.memory_space<vmem_shared>>
          tpu.wait_indirect_dma semaphore(%run_scoped3A : memref<!tpu.dma_semaphore, #tpu.memory_space<semaphore_mem>>) src(%arg9 : memref<128x128xf32, #tpu.memory_space<vmem>>) dst(%dma_wait3A_132 : memref<10240x128xf32, #tpu.memory_space<vmem_shared>>)
          tpu.yield
        }) : () -> ()
      }
      %scan3A_74 = arith.constant 16 : i32
      %dma_wait3A = arith.constant 0 : i32
      %dma_wait3A_75 = arith.constant 0 : i32
      %dma_wait3A_76 = tpu.memref_slice %arg6[%dma_wait3A, %dma_wait3A_75] : memref<32x128xi32, #tpu.memory_space<vmem>> -> memref<1x128xi32, #tpu.memory_space<vmem>>
      %dma_wait3A_77 = tpu.memref_squeeze %dma_wait3A_76 : memref<1x128xi32, #tpu.memory_space<vmem>> -> memref<128xi32, #tpu.memory_space<vmem>>
      %dma_wait3A_78 = arith.constant 0 : i32
      %dma_wait3A_79 = arith.constant 0 : i32
      %dma_wait3A_80 = tpu.memref_slice %arg2[%dma_wait3A_78, %dma_wait3A_79] : memref<10240x128xf32, #tpu.memory_space<hbm>> -> memref<10240x128xf32, #tpu.memory_space<hbm>>
      tpu.wait_indirect_dma semaphore(%arg11 : memref<!tpu.dma_semaphore, #tpu.memory_space<semaphore_mem>>) src(%dma_wait3A_80 : memref<10240x128xf32, #tpu.memory_space<hbm>>) dst(%arg8 : memref<128x128xf32, #tpu.memory_space<vmem>>)
    }
    %barrier3A_55 = arith.constant 0 : index
    tpu.barrier barrier_id(%barrier3A_55)
    %mul3A_56 = arith.constant 640 : i32
    %mul3A_57 = arith.muli %arg1, %mul3A_56 : i32
    "tpu.region"() ({
      %run_scoped3A = tpu.sem_alloc : memref<!tpu.dma_semaphore, #tpu.memory_space<semaphore_mem>>
      %dma_start3A = arith.constant 0 : i32
      %dma_start3A_58 = tpu.memref_slice %arg5[%arg0, %mul3A_57, %dma_start3A] : memref<2x10240x128xf32, #tpu.memory_space<hbm>> -> memref<1x640x128xf32, #tpu.memory_space<hbm>>
      %dma_start3A_59 = tpu.memref_squeeze %dma_start3A_58 : memref<1x640x128xf32, #tpu.memory_space<hbm>> -> memref<640x128xf32, #tpu.memory_space<hbm>>
      %dma_start3A_60 = arith.constant 0 : i32
      %dma_start3A_61 = tpu.memref_slice %arg10[%mul3A_57, %dma_start3A_60] : memref<10240x128xf32, #tpu.memory_space<vmem_shared>> -> memref<640x128xf32, #tpu.memory_space<vmem_shared>>
      tpu.enqueue_dma source(%dma_start3A_61 : memref<640x128xf32, #tpu.memory_space<vmem_shared>>) target(%dma_start3A_59 : memref<640x128xf32, #tpu.memory_space<hbm>>) target_semaphore(%run_scoped3A : memref<!tpu.dma_semaphore, #tpu.memory_space<semaphore_mem>>)
      %dma_wait3A = arith.constant 0 : i32
      %dma_wait3A_62 = tpu.memref_slice %arg5[%arg0, %mul3A_57, %dma_wait3A] : memref<2x10240x128xf32, #tpu.memory_space<hbm>> -> memref<1x640x128xf32, #tpu.memory_space<hbm>>
      %dma_wait3A_63 = tpu.memref_squeeze %dma_wait3A_62 : memref<1x640x128xf32, #tpu.memory_space<hbm>> -> memref<640x128xf32, #tpu.memory_space<hbm>>
      %dma_wait3A_64 = arith.constant 0 : i32
      %dma_wait3A_65 = tpu.memref_slice %arg10[%mul3A_57, %dma_wait3A_64] : memref<10240x128xf32, #tpu.memory_space<vmem_shared>> -> memref<640x128xf32, #tpu.memory_space<vmem_shared>>
      tpu.wait_dma2 semaphore(%run_scoped3A : memref<!tpu.dma_semaphore, #tpu.memory_space<semaphore_mem>>) src(%dma_wait3A_65 : memref<640x128xf32, #tpu.memory_space<vmem_shared>>) dst(%dma_wait3A_63 : memref<640x128xf32, #tpu.memory_space<hbm>>)
      tpu.yield
    }) : () -> ()
    return
  }
}

#map = affine_map<(d0, d1) -> (0)>
#map1 = affine_map<(d0, d1) -> (0, 0)>
module attributes {stable_mosaic.version = 14 : i64} {
  func.func @_deg_body(%arg0: i32, %arg1: i32, %arg2: memref<327680xi32, #tpu.memory_space<hbm>>, %arg3: memref<32x10240xf32, #tpu.memory_space<hbm>>, %arg4: memref<10240xi32, #tpu.memory_space<vmem>>, %arg5: memref<10240xf32, #tpu.memory_space<vmem>>) attributes {dimension_semantics = [#tpu.dimension_semantics<core_parallel>, #tpu.dimension_semantics<subcore_parallel>], iteration_bounds = array<i64: 2, 16>, scalar_prefetch = 0 : i64, scratch_operands = 2 : i64, tpu.core_type = #tpu.core_type<sc_vector_subcore>, window_params = [{transform_indices = #map}, {transform_indices = #map1}]} {
    %mul3A = arith.constant 2 : i32
    %mul3A_0 = arith.muli %arg1, %mul3A : i32
    %add3A = arith.addi %mul3A_0, %arg0 : i32
    %broadcast_in_dim3A = arith.constant 0.000000e+00 : f32
    %broadcast_in_dim3A_1 = vector.broadcast %broadcast_in_dim3A : f32 to vector<16xf32>
    %scan3A = arith.constant 0 : i32
    %scan3A_2 = arith.constant 640 : i32
    %scan3A_3 = arith.addi %scan3A, %scan3A_2 : i32
    %scan3A_4 = arith.constant 1 : i32
    scf.for %scan3A_15 = %scan3A to %scan3A_3 step %scan3A_4  : i32 {
      %mul3A_16 = arith.constant 16 : i32
      %mul3A_17 = arith.muli %scan3A_15, %mul3A_16 : i32
      %add3A_18 = arith.constant 0 : i32
      %add3A_19 = arith.addi %add3A_18, %mul3A_17 : i32
      %swap3A = arith.index_cast %add3A_19 : i32 to index
      %swap3A_20 = tpu.vector_load %arg5[%swap3A] {strides = array<i32>} : memref<10240xf32, #tpu.memory_space<vmem>>, vector<16xf32>,
      tpu.vector_store %arg5[%swap3A], %broadcast_in_dim3A_1 {strides = array<i32>} : memref<10240xf32, #tpu.memory_space<vmem>>, vector<16xf32>,
    }
    %scan3A_5 = arith.constant 640 : i32
    %mul3A_6 = arith.constant 10240 : i32
    %mul3A_7 = arith.muli %add3A, %mul3A_6 : i32
    "tpu.region"() ({
      %run_scoped3A = tpu.sem_alloc : memref<!tpu.dma_semaphore, #tpu.memory_space<semaphore_mem>>
      %dma_start3A = tpu.memref_slice %arg2[%mul3A_7] : memref<327680xi32, #tpu.memory_space<hbm>> -> memref<10240xi32, #tpu.memory_space<hbm>>
      %dma_start3A_15 = tpu.memref_slice %arg2[%mul3A_7] : memref<327680xi32, #tpu.memory_space<hbm>> -> memref<10240xi32, #tpu.memory_space<hbm>>
      tpu.enqueue_dma source(%dma_start3A_15 : memref<10240xi32, #tpu.memory_space<hbm>>) target(%arg4 : memref<10240xi32, #tpu.memory_space<vmem>>) target_semaphore(%run_scoped3A : memref<!tpu.dma_semaphore, #tpu.memory_space<semaphore_mem>>)
      %dma_wait3A = tpu.memref_slice %arg2[%mul3A_7] : memref<327680xi32, #tpu.memory_space<hbm>> -> memref<10240xi32, #tpu.memory_space<hbm>>
      %dma_wait3A_16 = tpu.memref_slice %arg2[%mul3A_7] : memref<327680xi32, #tpu.memory_space<hbm>> -> memref<10240xi32, #tpu.memory_space<hbm>>
      tpu.wait_dma2 semaphore(%run_scoped3A : memref<!tpu.dma_semaphore, #tpu.memory_space<semaphore_mem>>) src(%dma_wait3A_16 : memref<10240xi32, #tpu.memory_space<hbm>>) dst(%arg4 : memref<10240xi32, #tpu.memory_space<vmem>>)
      tpu.yield
    }) : () -> ()
    %broadcast_in_dim3A_8 = arith.constant 1.000000e+00 : f32
    %broadcast_in_dim3A_9 = vector.broadcast %broadcast_in_dim3A_8 : f32 to vector<16xf32>
    %scan3A_10 = arith.constant 0 : i32
    %scan3A_11 = arith.constant 640 : i32
    %scan3A_12 = arith.addi %scan3A_10, %scan3A_11 : i32
    %scan3A_13 = arith.constant 1 : i32
    scf.for %scan3A_15 = %scan3A_10 to %scan3A_12 step %scan3A_13  : i32 {
      %mul3A_16 = arith.constant 16 : i32
      %mul3A_17 = arith.muli %scan3A_15, %mul3A_16 : i32
      %add3A_18 = arith.constant 0 : i32
      %add3A_19 = arith.addi %add3A_18, %mul3A_17 : i32
      %get3A = arith.index_cast %add3A_19 : i32 to index
      %get3A_20 = tpu.vector_load %arg4[%get3A] {strides = array<i32>} : memref<10240xi32, #tpu.memory_space<vmem>>, vector<16xi32>,
      tpu.vector_store_idx %arg5[%get3A_20], %broadcast_in_dim3A_9 {add = true} : memref<10240xf32, #tpu.memory_space<vmem>>[vector<16xi32>], vector<16xf32>,
    }
    %scan3A_14 = arith.constant 640 : i32
    "tpu.region"() ({
      %run_scoped3A = tpu.sem_alloc : memref<!tpu.dma_semaphore, #tpu.memory_space<semaphore_mem>>
      %dma_start3A = arith.constant 0 : i32
      %dma_start3A_15 = tpu.memref_slice %arg3[%add3A, %dma_start3A] : memref<32x10240xf32, #tpu.memory_space<hbm>> -> memref<1x10240xf32, #tpu.memory_space<hbm>>
      %dma_start3A_16 = tpu.memref_squeeze %dma_start3A_15 : memref<1x10240xf32, #tpu.memory_space<hbm>> -> memref<10240xf32, #tpu.memory_space<hbm>>
      %dma_start3A_17 = arith.constant 0 : i32
      %dma_start3A_18 = tpu.memref_slice %arg3[%add3A, %dma_start3A_17] : memref<32x10240xf32, #tpu.memory_space<hbm>> -> memref<1x10240xf32, #tpu.memory_space<hbm>>
      %dma_start3A_19 = tpu.memref_squeeze %dma_start3A_18 : memref<1x10240xf32, #tpu.memory_space<hbm>> -> memref<10240xf32, #tpu.memory_space<hbm>>
      tpu.enqueue_dma source(%arg5 : memref<10240xf32, #tpu.memory_space<vmem>>) target(%dma_start3A_19 : memref<10240xf32, #tpu.memory_space<hbm>>) target_semaphore(%run_scoped3A : memref<!tpu.dma_semaphore, #tpu.memory_space<semaphore_mem>>)
      %dma_wait3A = arith.constant 0 : i32
      %dma_wait3A_20 = tpu.memref_slice %arg3[%add3A, %dma_wait3A] : memref<32x10240xf32, #tpu.memory_space<hbm>> -> memref<1x10240xf32, #tpu.memory_space<hbm>>
      %dma_wait3A_21 = tpu.memref_squeeze %dma_wait3A_20 : memref<1x10240xf32, #tpu.memory_space<hbm>> -> memref<10240xf32, #tpu.memory_space<hbm>>
      %dma_wait3A_22 = arith.constant 0 : i32
      %dma_wait3A_23 = tpu.memref_slice %arg3[%add3A, %dma_wait3A_22] : memref<32x10240xf32, #tpu.memory_space<hbm>> -> memref<1x10240xf32, #tpu.memory_space<hbm>>
      %dma_wait3A_24 = tpu.memref_squeeze %dma_wait3A_23 : memref<1x10240xf32, #tpu.memory_space<hbm>> -> memref<10240xf32, #tpu.memory_space<hbm>>
      tpu.wait_dma2 semaphore(%run_scoped3A : memref<!tpu.dma_semaphore, #tpu.memory_space<semaphore_mem>>) src(%arg5 : memref<10240xf32, #tpu.memory_space<vmem>>) dst(%dma_wait3A_24 : memref<10240xf32, #tpu.memory_space<hbm>>)
      tpu.yield
    }) : () -> ()
    return
  }
}

#map = affine_map<(d0, d1) -> (0, 0)>
#map1 = affine_map<(d0, d1) -> (0, 0, 0)>
module attributes {stable_mosaic.version = 14 : i64} {
  func.func @_agg_body(%arg0: i32, %arg1: i32, %arg2: memref<10240x128xf32, #tpu.memory_space<hbm>>, %arg3: memref<2560x128xi32, #tpu.memory_space<hbm>>, %arg4: memref<2560x128xi32, #tpu.memory_space<hbm>>, %arg5: memref<2x10240x128xf32, #tpu.memory_space<hbm>>, %arg6: memref<32x128xi32, #tpu.memory_space<vmem>>, %arg7: memref<32x128xi32, #tpu.memory_space<vmem>>, %arg8: memref<128x128xf32, #tpu.memory_space<vmem>>, %arg9: memref<128x128xf32, #tpu.memory_space<vmem>>, %arg10: memref<10240x128xf32, #tpu.memory_space<vmem_shared>>, %arg11: memref<!tpu.dma_semaphore, #tpu.memory_space<semaphore_mem>>, %arg12: memref<!tpu.dma_semaphore, #tpu.memory_space<semaphore_mem>>) attributes {dimension_semantics = [#tpu.dimension_semantics<core_parallel>, #tpu.dimension_semantics<subcore_parallel>], iteration_bounds = array<i64: 2, 16>, scalar_prefetch = 0 : i64, scratch_operands = 7 : i64, tpu.core_type = #tpu.core_type<sc_vector_subcore>, window_params = [{transform_indices = #map}, {transform_indices = #map}, {transform_indices = #map}, {transform_indices = #map1}]} {
    %eq3A = arith.constant 0 : i32
    %eq3A_0 = arith.cmpi eq, %arg0, %eq3A : i32
    %jit3A = arith.constant 128 : i32
    %jit3A_1 = arith.constant 32 : i32
    %select_n3A = arith.select %eq3A_0, %jit3A, %jit3A_1 : i32
    %eq3A_2 = arith.constant 0 : i32
    %eq3A_3 = arith.cmpi eq, %arg0, %eq3A_2 : i32
    %mul3A = arith.constant 128 : i32
    %mul3A_4 = arith.muli %arg1, %mul3A : i32
    %mul3A_5 = arith.constant 32 : i32
    %mul3A_6 = arith.muli %arg1, %mul3A_5 : i32
    %add3A = arith.constant 2048 : i32
    %add3A_7 = arith.addi %add3A, %mul3A_6 : i32
    %select_n3A_8 = arith.select %eq3A_3, %mul3A_4, %add3A_7 : i32
    %broadcast_in_dim3A = arith.constant 0.000000e+00 : f32
    %broadcast_in_dim3A_9 = vector.broadcast %broadcast_in_dim3A : f32 to vector<16xf32>
    %scan3A = arith.constant 0 : i32
    %scan3A_10 = arith.constant 128 : i32
    %scan3A_11 = arith.addi %scan3A, %scan3A_10 : i32
    %scan3A_12 = arith.constant 1 : i32
    scf.for %scan3A_58 = %scan3A to %scan3A_11 step %scan3A_12  : i32 {
      %mul3A_59 = arith.constant 1 : i32
      %mul3A_60 = arith.muli %scan3A_58, %mul3A_59 : i32
      %add3A_61 = arith.constant 0 : i32
      %add3A_62 = arith.addi %add3A_61, %mul3A_60 : i32
      %scan3A_63 = arith.constant 0 : i32
      %scan3A_64 = arith.constant 8 : i32
      %scan3A_65 = arith.addi %scan3A_63, %scan3A_64 : i32
      %scan3A_66 = arith.constant 1 : i32
      scf.for %scan3A_68 = %scan3A_63 to %scan3A_65 step %scan3A_66  : i32 {
        %mul3A_69 = arith.constant 16 : i32
        %mul3A_70 = arith.muli %scan3A_68, %mul3A_69 : i32
        %add3A_71 = arith.constant 0 : i32
        %add3A_72 = arith.addi %add3A_71, %mul3A_70 : i32
        %swap3A = arith.index_cast %add3A_62 : i32 to index
        %swap3A_73 = arith.index_cast %add3A_72 : i32 to index
        %swap3A_74 = tpu.vector_load %arg8[%swap3A, %swap3A_73] {strides = array<i32>} : memref<128x128xf32, #tpu.memory_space<vmem>>, vector<1x16xf32>,
        %swap3A_75 = vector.shape_cast %swap3A_74 : vector<1x16xf32> to vector<16xf32>
        %swap3A_76 = vector.shape_cast %broadcast_in_dim3A_9 : vector<16xf32> to vector<1x16xf32>
        tpu.vector_store %arg8[%swap3A, %swap3A_73], %swap3A_76 {strides = array<i32>} : memref<128x128xf32, #tpu.memory_space<vmem>>, vector<1x16xf32>,
      }
      %scan3A_67 = arith.constant 8 : i32
    }
    %scan3A_13 = arith.constant 128 : i32
    %scan3A_14 = arith.constant 0 : i32
    %scan3A_15 = arith.constant 5 : i32
    %scan3A_16 = arith.addi %scan3A_14, %scan3A_15 : i32
    %scan3A_17 = arith.constant 1 : i32
    scf.for %scan3A_58 = %scan3A_14 to %scan3A_16 step %scan3A_17  : i32 {
      %mul3A_59 = arith.constant 128 : i32
      %mul3A_60 = arith.muli %scan3A_58, %mul3A_59 : i32
      %add3A_61 = arith.constant 0 : i32
      %add3A_62 = arith.addi %add3A_61, %mul3A_60 : i32
      %mul3A_63 = arith.constant 640 : i32
      %mul3A_64 = arith.muli %arg1, %mul3A_63 : i32
      %add3A_65 = arith.addi %mul3A_64, %add3A_62 : i32
      "tpu.region"() ({
        %run_scoped3A = tpu.sem_alloc : memref<!tpu.dma_semaphore, #tpu.memory_space<semaphore_mem>>
        %dma_start3A = arith.constant 0 : i32
        %dma_start3A_66 = tpu.memref_slice %arg10[%add3A_65, %dma_start3A] : memref<10240x128xf32, #tpu.memory_space<vmem_shared>> -> memref<128x128xf32, #tpu.memory_space<vmem_shared>>
        %dma_start3A_67 = arith.constant 0 : i32
        %dma_start3A_68 = tpu.memref_slice %arg10[%add3A_65, %dma_start3A_67] : memref<10240x128xf32, #tpu.memory_space<vmem_shared>> -> memref<128x128xf32, #tpu.memory_space<vmem_shared>>
        tpu.enqueue_dma source(%arg8 : memref<128x128xf32, #tpu.memory_space<vmem>>) target(%dma_start3A_68 : memref<128x128xf32, #tpu.memory_space<vmem_shared>>) target_semaphore(%run_scoped3A : memref<!tpu.dma_semaphore, #tpu.memory_space<semaphore_mem>>)
        %dma_wait3A = arith.constant 0 : i32
        %dma_wait3A_69 = tpu.memref_slice %arg10[%add3A_65, %dma_wait3A] : memref<10240x128xf32, #tpu.memory_space<vmem_shared>> -> memref<128x128xf32, #tpu.memory_space<vmem_shared>>
        %dma_wait3A_70 = arith.constant 0 : i32
        %dma_wait3A_71 = tpu.memref_slice %arg10[%add3A_65, %dma_wait3A_70] : memref<10240x128xf32, #tpu.memory_space<vmem_shared>> -> memref<128x128xf32, #tpu.memory_space<vmem_shared>>
        tpu.wait_dma2 semaphore(%run_scoped3A : memref<!tpu.dma_semaphore, #tpu.memory_space<semaphore_mem>>) src(%arg8 : memref<128x128xf32, #tpu.memory_space<vmem>>) dst(%dma_wait3A_71 : memref<128x128xf32, #tpu.memory_space<vmem_shared>>)
        tpu.yield
      }) : () -> ()
    }
    %scan3A_18 = arith.constant 5 : i32
    %barrier3A = arith.constant 0 : index
    tpu.barrier barrier_id(%barrier3A)
    %jit3A_19 = arith.constant 32 : i32
    %div3A = arith.divsi %select_n3A, %jit3A_19 : i32
    %sign3A = arith.constant 0 : i32
    %sign3A_20 = arith.cmpi sgt, %select_n3A, %sign3A : i32
    %sign3A_21 = arith.extui %sign3A_20 : i1 to i32
    %sign3A_22 = arith.constant 0 : i32
    %sign3A_23 = arith.cmpi slt, %select_n3A, %sign3A_22 : i32
    %sign3A_24 = arith.extui %sign3A_23 : i1 to i32
    %sign3A_25 = arith.subi %sign3A_21, %sign3A_24 : i32
    %sign3A_26 = arith.constant 0 : i32
    %sign3A_27 = arith.cmpi sgt, %jit3A_19, %sign3A_26 : i32
    %sign3A_28 = arith.extui %sign3A_27 : i1 to i32
    %sign3A_29 = arith.constant 0 : i32
    %sign3A_30 = arith.cmpi slt, %jit3A_19, %sign3A_29 : i32
    %sign3A_31 = arith.extui %sign3A_30 : i1 to i32
    %sign3A_32 = arith.subi %sign3A_28, %sign3A_31 : i32
    %ne3A = arith.cmpi ne, %sign3A_25, %sign3A_32 : i32
    %rem3A = arith.remsi %select_n3A, %jit3A_19 : i32
    %ne3A_33 = arith.constant 0 : i32
    %ne3A_34 = arith.cmpi ne, %rem3A, %ne3A_33 : i32
    %and3A = arith.andi %ne3A, %ne3A_34 : i1
    %sub3A = arith.constant 1 : i32
    %sub3A_35 = arith.subi %div3A, %sub3A : i32
    %select_n3A_36 = arith.select %and3A, %sub3A_35, %div3A : i32
    %sub3A_37 = arith.constant 0 : i32
    %sub3A_38 = arith.subi %select_n3A_36, %sub3A_37 : i32
    %sub3A_39 = arith.constant 1 : i32
    %sub3A_40 = arith.constant 1 : i32
    %sub3A_41 = arith.subi %sub3A_39, %sub3A_40 : i32
    %add3A_42 = arith.addi %sub3A_38, %sub3A_41 : i32
    %div3A_43 = arith.constant 1 : i32
    %div3A_44 = arith.divsi %add3A_42, %div3A_43 : i32
    %while3A = arith.constant 1 : i32
    %while3A_45 = arith.constant 0 : i32
    %while3A_46 = arith.constant 0 : i32
    %while3A_47 = arith.subi %div3A_44, %while3A_46 : i32
    %while3A_48 = arith.addi %while3A_46, %while3A_47 : i32
    %while3A_49 = arith.constant 1 : i32
    %while3A_50 = arith.divsi %while3A_47, %while3A_49 : i32
    %while3A_51 = arith.muli %while3A_50, %while3A_49 : i32
    %while3A_52 = arith.addi %while3A_46, %while3A_51 : i32
    %while3A_53 = arith.constant 1 : i32
    scf.for %while3A_58 = %while3A_46 to %while3A_52 step %while3A_53  : i32 {
      %mul3A_59 = arith.muli %while3A_58, %while3A : i32
      %add3A_60 = arith.addi %while3A_45, %mul3A_59 : i32
      %mul3A_61 = arith.constant 32 : i32
      %mul3A_62 = arith.muli %add3A_60, %mul3A_61 : i32
      %add3A_63 = arith.addi %select_n3A_8, %mul3A_62 : i32
      "tpu.region"() ({
        %run_scoped3A = tpu.sem_alloc : memref<!tpu.dma_semaphore, #tpu.memory_space<semaphore_mem>>
        %dma_start3A_81 = arith.constant 0 : i32
        %dma_start3A_82 = tpu.memref_slice %arg3[%add3A_63, %dma_start3A_81] : memref<2560x128xi32, #tpu.memory_space<hbm>> -> memref<32x128xi32, #tpu.memory_space<hbm>>
        %dma_start3A_83 = arith.constant 0 : i32
        %dma_start3A_84 = tpu.memref_slice %arg3[%add3A_63, %dma_start3A_83] : memref<2560x128xi32, #tpu.memory_space<hbm>> -> memref<32x128xi32, #tpu.memory_space<hbm>>
        tpu.enqueue_dma source(%dma_start3A_84 : memref<32x128xi32, #tpu.memory_space<hbm>>) target(%arg6 : memref<32x128xi32, #tpu.memory_space<vmem>>) target_semaphore(%run_scoped3A : memref<!tpu.dma_semaphore, #tpu.memory_space<semaphore_mem>>)
        %dma_wait3A_85 = arith.constant 0 : i32
        %dma_wait3A_86 = tpu.memref_slice %arg3[%add3A_63, %dma_wait3A_85] : memref<2560x128xi32, #tpu.memory_space<hbm>> -> memref<32x128xi32, #tpu.memory_space<hbm>>
        %dma_wait3A_87 = arith.constant 0 : i32
        %dma_wait3A_88 = tpu.memref_slice %arg3[%add3A_63, %dma_wait3A_87] : memref<2560x128xi32, #tpu.memory_space<hbm>> -> memref<32x128xi32, #tpu.memory_space<hbm>>
        tpu.wait_dma2 semaphore(%run_scoped3A : memref<!tpu.dma_semaphore, #tpu.memory_space<semaphore_mem>>) src(%dma_wait3A_88 : memref<32x128xi32, #tpu.memory_space<hbm>>) dst(%arg6 : memref<32x128xi32, #tpu.memory_space<vmem>>)
        tpu.yield
      }) : () -> ()
      "tpu.region"() ({
        %run_scoped3A = tpu.sem_alloc : memref<!tpu.dma_semaphore, #tpu.memory_space<semaphore_mem>>
        %dma_start3A_81 = arith.constant 0 : i32
        %dma_start3A_82 = tpu.memref_slice %arg4[%add3A_63, %dma_start3A_81] : memref<2560x128xi32, #tpu.memory_space<hbm>> -> memref<32x128xi32, #tpu.memory_space<hbm>>
        %dma_start3A_83 = arith.constant 0 : i32
        %dma_start3A_84 = tpu.memref_slice %arg4[%add3A_63, %dma_start3A_83] : memref<2560x128xi32, #tpu.memory_space<hbm>> -> memref<32x128xi32, #tpu.memory_space<hbm>>
        tpu.enqueue_dma source(%dma_start3A_84 : memref<32x128xi32, #tpu.memory_space<hbm>>) target(%arg7 : memref<32x128xi32, #tpu.memory_space<vmem>>) target_semaphore(%run_scoped3A : memref<!tpu.dma_semaphore, #tpu.memory_space<semaphore_mem>>)
        %dma_wait3A_85 = arith.constant 0 : i32
        %dma_wait3A_86 = tpu.memref_slice %arg4[%add3A_63, %dma_wait3A_85] : memref<2560x128xi32, #tpu.memory_space<hbm>> -> memref<32x128xi32, #tpu.memory_space<hbm>>
        %dma_wait3A_87 = arith.constant 0 : i32
        %dma_wait3A_88 = tpu.memref_slice %arg4[%add3A_63, %dma_wait3A_87] : memref<2560x128xi32, #tpu.memory_space<hbm>> -> memref<32x128xi32, #tpu.memory_space<hbm>>
        tpu.wait_dma2 semaphore(%run_scoped3A : memref<!tpu.dma_semaphore, #tpu.memory_space<semaphore_mem>>) src(%dma_wait3A_88 : memref<32x128xi32, #tpu.memory_space<hbm>>) dst(%arg7 : memref<32x128xi32, #tpu.memory_space<vmem>>)
        tpu.yield
      }) : () -> ()
      %dma_start3A = arith.constant 0 : i32
      %dma_start3A_64 = arith.constant 0 : i32
      %dma_start3A_65 = tpu.memref_slice %arg6[%dma_start3A, %dma_start3A_64] : memref<32x128xi32, #tpu.memory_space<vmem>> -> memref<1x128xi32, #tpu.memory_space<vmem>>
      %dma_start3A_66 = tpu.memref_squeeze %dma_start3A_65 : memref<1x128xi32, #tpu.memory_space<vmem>> -> memref<128xi32, #tpu.memory_space<vmem>>
      %dma_start3A_67 = arith.constant 0 : i32
      %dma_start3A_68 = arith.constant 0 : i32
      %dma_start3A_69 = tpu.memref_slice %arg2[%dma_start3A_67, %dma_start3A_68] : memref<10240x128xf32, #tpu.memory_space<hbm>> -> memref<10240x128xf32, #tpu.memory_space<hbm>>
      tpu.enqueue_indirect_dma source(%dma_start3A_69 : memref<10240x128xf32, #tpu.memory_space<hbm>>) target(%arg8 : memref<128x128xf32, #tpu.memory_space<vmem>>) offsets(%dma_start3A_66 : memref<128xi32, #tpu.memory_space<vmem>>) semaphore(%arg11 : memref<!tpu.dma_semaphore, #tpu.memory_space<semaphore_mem>>)
      %scan3A_70 = arith.constant 0 : i32
      %scan3A_71 = arith.constant 16 : i32
      %scan3A_72 = arith.addi %scan3A_70, %scan3A_71 : i32
      %scan3A_73 = arith.constant 1 : i32
      scf.for %scan3A_81 = %scan3A_70 to %scan3A_72 step %scan3A_73  : i32 {
        %mul3A_82 = arith.constant 1 : i32
        %mul3A_83 = arith.muli %scan3A_81, %mul3A_82 : i32
        %add3A_84 = arith.constant 0 : i32
        %add3A_85 = arith.addi %add3A_84, %mul3A_83 : i32
        %mul3A_86 = arith.constant 2 : i32
        %mul3A_87 = arith.muli %mul3A_86, %add3A_85 : i32
        %add3A_88 = arith.constant 1 : i32
        %add3A_89 = arith.addi %mul3A_87, %add3A_88 : i32
        %dma_start3A_90 = arith.constant 0 : i32
        %dma_start3A_91 = tpu.memref_slice %arg6[%add3A_89, %dma_start3A_90] : memref<32x128xi32, #tpu.memory_space<vmem>> -> memref<1x128xi32, #tpu.memory_space<vmem>>
        %dma_start3A_92 = tpu.memref_squeeze %dma_start3A_91 : memref<1x128xi32, #tpu.memory_space<vmem>> -> memref<128xi32, #tpu.memory_space<vmem>>
        %dma_start3A_93 = arith.constant 0 : i32
        %dma_start3A_94 = arith.constant 0 : i32
        %dma_start3A_95 = tpu.memref_slice %arg2[%dma_start3A_93, %dma_start3A_94] : memref<10240x128xf32, #tpu.memory_space<hbm>> -> memref<10240x128xf32, #tpu.memory_space<hbm>>
        tpu.enqueue_indirect_dma source(%dma_start3A_95 : memref<10240x128xf32, #tpu.memory_space<hbm>>) target(%arg9 : memref<128x128xf32, #tpu.memory_space<vmem>>) offsets(%dma_start3A_92 : memref<128xi32, #tpu.memory_space<vmem>>) semaphore(%arg12 : memref<!tpu.dma_semaphore, #tpu.memory_space<semaphore_mem>>)
        %dma_wait3A_96 = arith.constant 0 : i32
        %dma_wait3A_97 = tpu.memref_slice %arg6[%mul3A_87, %dma_wait3A_96] : memref<32x128xi32, #tpu.memory_space<vmem>> -> memref<1x128xi32, #tpu.memory_space<vmem>>
        %dma_wait3A_98 = tpu.memref_squeeze %dma_wait3A_97 : memref<1x128xi32, #tpu.memory_space<vmem>> -> memref<128xi32, #tpu.memory_space<vmem>>
        %dma_wait3A_99 = arith.constant 0 : i32
        %dma_wait3A_100 = arith.constant 0 : i32
        %dma_wait3A_101 = tpu.memref_slice %arg2[%dma_wait3A_99, %dma_wait3A_100] : memref<10240x128xf32, #tpu.memory_space<hbm>> -> memref<10240x128xf32, #tpu.memory_space<hbm>>
        tpu.wait_indirect_dma semaphore(%arg11 : memref<!tpu.dma_semaphore, #tpu.memory_space<semaphore_mem>>) src(%dma_wait3A_101 : memref<10240x128xf32, #tpu.memory_space<hbm>>) dst(%arg8 : memref<128x128xf32, #tpu.memory_space<vmem>>)
        "tpu.region"() ({
          %run_scoped3A = tpu.sem_alloc : memref<!tpu.dma_semaphore, #tpu.memory_space<semaphore_mem>>
          %dma_start3A_121 = arith.constant 0 : i32
          %dma_start3A_122 = tpu.memref_slice %arg7[%mul3A_87, %dma_start3A_121] : memref<32x128xi32, #tpu.memory_space<vmem>> -> memref<1x128xi32, #tpu.memory_space<vmem>>
          %dma_start3A_123 = tpu.memref_squeeze %dma_start3A_122 : memref<1x128xi32, #tpu.memory_space<vmem>> -> memref<128xi32, #tpu.memory_space<vmem>>
          %dma_start3A_124 = arith.constant 0 : i32
          %dma_start3A_125 = arith.constant 0 : i32
          %dma_start3A_126 = tpu.memref_slice %arg10[%dma_start3A_124, %dma_start3A_125] : memref<10240x128xf32, #tpu.memory_space<vmem_shared>> -> memref<10240x128xf32, #tpu.memory_space<vmem_shared>>
          tpu.enqueue_indirect_dma source(%arg8 : memref<128x128xf32, #tpu.memory_space<vmem>>) target(%dma_start3A_126 : memref<10240x128xf32, #tpu.memory_space<vmem_shared>>) offsets(%dma_start3A_123 : memref<128xi32, #tpu.memory_space<vmem>>) semaphore(%run_scoped3A : memref<!tpu.dma_semaphore, #tpu.memory_space<semaphore_mem>>) {add = true}
          %dma_wait3A_127 = arith.constant 0 : i32
          %dma_wait3A_128 = tpu.memref_slice %arg7[%mul3A_87, %dma_wait3A_127] : memref<32x128xi32, #tpu.memory_space<vmem>> -> memref<1x128xi32, #tpu.memory_space<vmem>>
          %dma_wait3A_129 = tpu.memref_squeeze %dma_wait3A_128 : memref<1x128xi32, #tpu.memory_space<vmem>> -> memref<128xi32, #tpu.memory_space<vmem>>
          %dma_wait3A_130 = arith.constant 0 : i32
          %dma_wait3A_131 = arith.constant 0 : i32
          %dma_wait3A_132 = tpu.memref_slice %arg10[%dma_wait3A_130, %dma_wait3A_131] : memref<10240x128xf32, #tpu.memory_space<vmem_shared>> -> memref<10240x128xf32, #tpu.memory_space<vmem_shared>>
          tpu.wait_indirect_dma semaphore(%run_scoped3A : memref<!tpu.dma_semaphore, #tpu.memory_space<semaphore_mem>>) src(%arg8 : memref<128x128xf32, #tpu.memory_space<vmem>>) dst(%dma_wait3A_132 : memref<10240x128xf32, #tpu.memory_space<vmem_shared>>)
          tpu.yield
        }) : () -> ()
        %add3A_102 = arith.constant 1 : i32
        %add3A_103 = arith.addi %add3A_89, %add3A_102 : i32
        %lt3A = arith.constant 32 : i32
        %lt3A_104 = arith.cmpi slt, %add3A_103, %lt3A : i32
        %add3A_105 = arith.constant 1 : i32
        %add3A_106 = arith.addi %add3A_89, %add3A_105 : i32
        %jit3A_107 = arith.constant 0 : i32
        %select_n3A_108 = arith.select %lt3A_104, %add3A_106, %jit3A_107 : i32
        %dma_start3A_109 = arith.constant 0 : i32
        %dma_start3A_110 = tpu.memref_slice %arg6[%select_n3A_108, %dma_start3A_109] : memref<32x128xi32, #tpu.memory_space<vmem>> -> memref<1x128xi32, #tpu.memory_space<vmem>>
        %dma_start3A_111 = tpu.memref_squeeze %dma_start3A_110 : memref<1x128xi32, #tpu.memory_space<vmem>> -> memref<128xi32, #tpu.memory_space<vmem>>
        %dma_start3A_112 = arith.constant 0 : i32
        %dma_start3A_113 = arith.constant 0 : i32
        %dma_start3A_114 = tpu.memref_slice %arg2[%dma_start3A_112, %dma_start3A_113] : memref<10240x128xf32, #tpu.memory_space<hbm>> -> memref<10240x128xf32, #tpu.memory_space<hbm>>
        tpu.enqueue_indirect_dma source(%dma_start3A_114 : memref<10240x128xf32, #tpu.memory_space<hbm>>) target(%arg8 : memref<128x128xf32, #tpu.memory_space<vmem>>) offsets(%dma_start3A_111 : memref<128xi32, #tpu.memory_space<vmem>>) semaphore(%arg11 : memref<!tpu.dma_semaphore, #tpu.memory_space<semaphore_mem>>)
        %dma_wait3A_115 = arith.constant 0 : i32
        %dma_wait3A_116 = tpu.memref_slice %arg6[%add3A_89, %dma_wait3A_115] : memref<32x128xi32, #tpu.memory_space<vmem>> -> memref<1x128xi32, #tpu.memory_space<vmem>>
        %dma_wait3A_117 = tpu.memref_squeeze %dma_wait3A_116 : memref<1x128xi32, #tpu.memory_space<vmem>> -> memref<128xi32, #tpu.memory_space<vmem>>
        %dma_wait3A_118 = arith.constant 0 : i32
        %dma_wait3A_119 = arith.constant 0 : i32
        %dma_wait3A_120 = tpu.memref_slice %arg2[%dma_wait3A_118, %dma_wait3A_119] : memref<10240x128xf32, #tpu.memory_space<hbm>> -> memref<10240x128xf32, #tpu.memory_space<hbm>>
        tpu.wait_indirect_dma semaphore(%arg12 : memref<!tpu.dma_semaphore, #tpu.memory_space<semaphore_mem>>) src(%dma_wait3A_120 : memref<10240x128xf32, #tpu.memory_space<hbm>>) dst(%arg9 : memref<128x128xf32, #tpu.memory_space<vmem>>)
        "tpu.region"() ({
          %run_scoped3A = tpu.sem_alloc : memref<!tpu.dma_semaphore, #tpu.memory_space<semaphore_mem>>
          %dma_start3A_121 = arith.constant 0 : i32
          %dma_start3A_122 = tpu.memref_slice %arg7[%add3A_89, %dma_start3A_121] : memref<32x128xi32, #tpu.memory_space<vmem>> -> memref<1x128xi32, #tpu.memory_space<vmem>>
          %dma_start3A_123 = tpu.memref_squeeze %dma_start3A_122 : memref<1x128xi32, #tpu.memory_space<vmem>> -> memref<128xi32, #tpu.memory_space<vmem>>
          %dma_start3A_124 = arith.constant 0 : i32
          %dma_start3A_125 = arith.constant 0 : i32
          %dma_start3A_126 = tpu.memref_slice %arg10[%dma_start3A_124, %dma_start3A_125] : memref<10240x128xf32, #tpu.memory_space<vmem_shared>> -> memref<10240x128xf32, #tpu.memory_space<vmem_shared>>
          tpu.enqueue_indirect_dma source(%arg9 : memref<128x128xf32, #tpu.memory_space<vmem>>) target(%dma_start3A_126 : memref<10240x128xf32, #tpu.memory_space<vmem_shared>>) offsets(%dma_start3A_123 : memref<128xi32, #tpu.memory_space<vmem>>) semaphore(%run_scoped3A : memref<!tpu.dma_semaphore, #tpu.memory_space<semaphore_mem>>) {add = true}
          %dma_wait3A_127 = arith.constant 0 : i32
          %dma_wait3A_128 = tpu.memref_slice %arg7[%add3A_89, %dma_wait3A_127] : memref<32x128xi32, #tpu.memory_space<vmem>> -> memref<1x128xi32, #tpu.memory_space<vmem>>
          %dma_wait3A_129 = tpu.memref_squeeze %dma_wait3A_128 : memref<1x128xi32, #tpu.memory_space<vmem>> -> memref<128xi32, #tpu.memory_space<vmem>>
          %dma_wait3A_130 = arith.constant 0 : i32
          %dma_wait3A_131 = arith.constant 0 : i32
          %dma_wait3A_132 = tpu.memref_slice %arg10[%dma_wait3A_130, %dma_wait3A_131] : memref<10240x128xf32, #tpu.memory_space<vmem_shared>> -> memref<10240x128xf32, #tpu.memory_space<vmem_shared>>
          tpu.wait_indirect_dma semaphore(%run_scoped3A : memref<!tpu.dma_semaphore, #tpu.memory_space<semaphore_mem>>) src(%arg9 : memref<128x128xf32, #tpu.memory_space<vmem>>) dst(%dma_wait3A_132 : memref<10240x128xf32, #tpu.memory_space<vmem_shared>>)
          tpu.yield
        }) : () -> ()
      }
      %scan3A_74 = arith.constant 16 : i32
      %dma_wait3A = arith.constant 0 : i32
      %dma_wait3A_75 = arith.constant 0 : i32
      %dma_wait3A_76 = tpu.memref_slice %arg6[%dma_wait3A, %dma_wait3A_75] : memref<32x128xi32, #tpu.memory_space<vmem>> -> memref<1x128xi32, #tpu.memory_space<vmem>>
      %dma_wait3A_77 = tpu.memref_squeeze %dma_wait3A_76 : memref<1x128xi32, #tpu.memory_space<vmem>> -> memref<128xi32, #tpu.memory_space<vmem>>
      %dma_wait3A_78 = arith.constant 0 : i32
      %dma_wait3A_79 = arith.constant 0 : i32
      %dma_wait3A_80 = tpu.memref_slice %arg2[%dma_wait3A_78, %dma_wait3A_79] : memref<10240x128xf32, #tpu.memory_space<hbm>> -> memref<10240x128xf32, #tpu.memory_space<hbm>>
      tpu.wait_indirect_dma semaphore(%arg11 : memref<!tpu.dma_semaphore, #tpu.memory_space<semaphore_mem>>) src(%dma_wait3A_80 : memref<10240x128xf32, #tpu.memory_space<hbm>>) dst(%arg8 : memref<128x128xf32, #tpu.memory_space<vmem>>)
    }
    %while3A_54 = arith.constant 1 : i32
    scf.for %while3A_58 = %while3A_52 to %while3A_48 step %while3A_54  : i32 {
      %mul3A_59 = arith.muli %while3A_58, %while3A : i32
      %add3A_60 = arith.addi %while3A_45, %mul3A_59 : i32
      %mul3A_61 = arith.constant 32 : i32
      %mul3A_62 = arith.muli %add3A_60, %mul3A_61 : i32
      %add3A_63 = arith.addi %select_n3A_8, %mul3A_62 : i32
      "tpu.region"() ({
        %run_scoped3A = tpu.sem_alloc : memref<!tpu.dma_semaphore, #tpu.memory_space<semaphore_mem>>
        %dma_start3A_81 = arith.constant 0 : i32
        %dma_start3A_82 = tpu.memref_slice %arg3[%add3A_63, %dma_start3A_81] : memref<2560x128xi32, #tpu.memory_space<hbm>> -> memref<32x128xi32, #tpu.memory_space<hbm>>
        %dma_start3A_83 = arith.constant 0 : i32
        %dma_start3A_84 = tpu.memref_slice %arg3[%add3A_63, %dma_start3A_83] : memref<2560x128xi32, #tpu.memory_space<hbm>> -> memref<32x128xi32, #tpu.memory_space<hbm>>
        tpu.enqueue_dma source(%dma_start3A_84 : memref<32x128xi32, #tpu.memory_space<hbm>>) target(%arg6 : memref<32x128xi32, #tpu.memory_space<vmem>>) target_semaphore(%run_scoped3A : memref<!tpu.dma_semaphore, #tpu.memory_space<semaphore_mem>>)
        %dma_wait3A_85 = arith.constant 0 : i32
        %dma_wait3A_86 = tpu.memref_slice %arg3[%add3A_63, %dma_wait3A_85] : memref<2560x128xi32, #tpu.memory_space<hbm>> -> memref<32x128xi32, #tpu.memory_space<hbm>>
        %dma_wait3A_87 = arith.constant 0 : i32
        %dma_wait3A_88 = tpu.memref_slice %arg3[%add3A_63, %dma_wait3A_87] : memref<2560x128xi32, #tpu.memory_space<hbm>> -> memref<32x128xi32, #tpu.memory_space<hbm>>
        tpu.wait_dma2 semaphore(%run_scoped3A : memref<!tpu.dma_semaphore, #tpu.memory_space<semaphore_mem>>) src(%dma_wait3A_88 : memref<32x128xi32, #tpu.memory_space<hbm>>) dst(%arg6 : memref<32x128xi32, #tpu.memory_space<vmem>>)
        tpu.yield
      }) : () -> ()
      "tpu.region"() ({
        %run_scoped3A = tpu.sem_alloc : memref<!tpu.dma_semaphore, #tpu.memory_space<semaphore_mem>>
        %dma_start3A_81 = arith.constant 0 : i32
        %dma_start3A_82 = tpu.memref_slice %arg4[%add3A_63, %dma_start3A_81] : memref<2560x128xi32, #tpu.memory_space<hbm>> -> memref<32x128xi32, #tpu.memory_space<hbm>>
        %dma_start3A_83 = arith.constant 0 : i32
        %dma_start3A_84 = tpu.memref_slice %arg4[%add3A_63, %dma_start3A_83] : memref<2560x128xi32, #tpu.memory_space<hbm>> -> memref<32x128xi32, #tpu.memory_space<hbm>>
        tpu.enqueue_dma source(%dma_start3A_84 : memref<32x128xi32, #tpu.memory_space<hbm>>) target(%arg7 : memref<32x128xi32, #tpu.memory_space<vmem>>) target_semaphore(%run_scoped3A : memref<!tpu.dma_semaphore, #tpu.memory_space<semaphore_mem>>)
        %dma_wait3A_85 = arith.constant 0 : i32
        %dma_wait3A_86 = tpu.memref_slice %arg4[%add3A_63, %dma_wait3A_85] : memref<2560x128xi32, #tpu.memory_space<hbm>> -> memref<32x128xi32, #tpu.memory_space<hbm>>
        %dma_wait3A_87 = arith.constant 0 : i32
        %dma_wait3A_88 = tpu.memref_slice %arg4[%add3A_63, %dma_wait3A_87] : memref<2560x128xi32, #tpu.memory_space<hbm>> -> memref<32x128xi32, #tpu.memory_space<hbm>>
        tpu.wait_dma2 semaphore(%run_scoped3A : memref<!tpu.dma_semaphore, #tpu.memory_space<semaphore_mem>>) src(%dma_wait3A_88 : memref<32x128xi32, #tpu.memory_space<hbm>>) dst(%arg7 : memref<32x128xi32, #tpu.memory_space<vmem>>)
        tpu.yield
      }) : () -> ()
      %dma_start3A = arith.constant 0 : i32
      %dma_start3A_64 = arith.constant 0 : i32
      %dma_start3A_65 = tpu.memref_slice %arg6[%dma_start3A, %dma_start3A_64] : memref<32x128xi32, #tpu.memory_space<vmem>> -> memref<1x128xi32, #tpu.memory_space<vmem>>
      %dma_start3A_66 = tpu.memref_squeeze %dma_start3A_65 : memref<1x128xi32, #tpu.memory_space<vmem>> -> memref<128xi32, #tpu.memory_space<vmem>>
      %dma_start3A_67 = arith.constant 0 : i32
      %dma_start3A_68 = arith.constant 0 : i32
      %dma_start3A_69 = tpu.memref_slice %arg2[%dma_start3A_67, %dma_start3A_68] : memref<10240x128xf32, #tpu.memory_space<hbm>> -> memref<10240x128xf32, #tpu.memory_space<hbm>>
      tpu.enqueue_indirect_dma source(%dma_start3A_69 : memref<10240x128xf32, #tpu.memory_space<hbm>>) target(%arg8 : memref<128x128xf32, #tpu.memory_space<vmem>>) offsets(%dma_start3A_66 : memref<128xi32, #tpu.memory_space<vmem>>) semaphore(%arg11 : memref<!tpu.dma_semaphore, #tpu.memory_space<semaphore_mem>>)
      %scan3A_70 = arith.constant 0 : i32
      %scan3A_71 = arith.constant 16 : i32
      %scan3A_72 = arith.addi %scan3A_70, %scan3A_71 : i32
      %scan3A_73 = arith.constant 1 : i32
      scf.for %scan3A_81 = %scan3A_70 to %scan3A_72 step %scan3A_73  : i32 {
        %mul3A_82 = arith.constant 1 : i32
        %mul3A_83 = arith.muli %scan3A_81, %mul3A_82 : i32
        %add3A_84 = arith.constant 0 : i32
        %add3A_85 = arith.addi %add3A_84, %mul3A_83 : i32
        %mul3A_86 = arith.constant 2 : i32
        %mul3A_87 = arith.muli %mul3A_86, %add3A_85 : i32
        %add3A_88 = arith.constant 1 : i32
        %add3A_89 = arith.addi %mul3A_87, %add3A_88 : i32
        %dma_start3A_90 = arith.constant 0 : i32
        %dma_start3A_91 = tpu.memref_slice %arg6[%add3A_89, %dma_start3A_90] : memref<32x128xi32, #tpu.memory_space<vmem>> -> memref<1x128xi32, #tpu.memory_space<vmem>>
        %dma_start3A_92 = tpu.memref_squeeze %dma_start3A_91 : memref<1x128xi32, #tpu.memory_space<vmem>> -> memref<128xi32, #tpu.memory_space<vmem>>
        %dma_start3A_93 = arith.constant 0 : i32
        %dma_start3A_94 = arith.constant 0 : i32
        %dma_start3A_95 = tpu.memref_slice %arg2[%dma_start3A_93, %dma_start3A_94] : memref<10240x128xf32, #tpu.memory_space<hbm>> -> memref<10240x128xf32, #tpu.memory_space<hbm>>
        tpu.enqueue_indirect_dma source(%dma_start3A_95 : memref<10240x128xf32, #tpu.memory_space<hbm>>) target(%arg9 : memref<128x128xf32, #tpu.memory_space<vmem>>) offsets(%dma_start3A_92 : memref<128xi32, #tpu.memory_space<vmem>>) semaphore(%arg12 : memref<!tpu.dma_semaphore, #tpu.memory_space<semaphore_mem>>)
        %dma_wait3A_96 = arith.constant 0 : i32
        %dma_wait3A_97 = tpu.memref_slice %arg6[%mul3A_87, %dma_wait3A_96] : memref<32x128xi32, #tpu.memory_space<vmem>> -> memref<1x128xi32, #tpu.memory_space<vmem>>
        %dma_wait3A_98 = tpu.memref_squeeze %dma_wait3A_97 : memref<1x128xi32, #tpu.memory_space<vmem>> -> memref<128xi32, #tpu.memory_space<vmem>>
        %dma_wait3A_99 = arith.constant 0 : i32
        %dma_wait3A_100 = arith.constant 0 : i32
        %dma_wait3A_101 = tpu.memref_slice %arg2[%dma_wait3A_99, %dma_wait3A_100] : memref<10240x128xf32, #tpu.memory_space<hbm>> -> memref<10240x128xf32, #tpu.memory_space<hbm>>
        tpu.wait_indirect_dma semaphore(%arg11 : memref<!tpu.dma_semaphore, #tpu.memory_space<semaphore_mem>>) src(%dma_wait3A_101 : memref<10240x128xf32, #tpu.memory_space<hbm>>) dst(%arg8 : memref<128x128xf32, #tpu.memory_space<vmem>>)
        "tpu.region"() ({
          %run_scoped3A = tpu.sem_alloc : memref<!tpu.dma_semaphore, #tpu.memory_space<semaphore_mem>>
          %dma_start3A_121 = arith.constant 0 : i32
          %dma_start3A_122 = tpu.memref_slice %arg7[%mul3A_87, %dma_start3A_121] : memref<32x128xi32, #tpu.memory_space<vmem>> -> memref<1x128xi32, #tpu.memory_space<vmem>>
          %dma_start3A_123 = tpu.memref_squeeze %dma_start3A_122 : memref<1x128xi32, #tpu.memory_space<vmem>> -> memref<128xi32, #tpu.memory_space<vmem>>
          %dma_start3A_124 = arith.constant 0 : i32
          %dma_start3A_125 = arith.constant 0 : i32
          %dma_start3A_126 = tpu.memref_slice %arg10[%dma_start3A_124, %dma_start3A_125] : memref<10240x128xf32, #tpu.memory_space<vmem_shared>> -> memref<10240x128xf32, #tpu.memory_space<vmem_shared>>
          tpu.enqueue_indirect_dma source(%arg8 : memref<128x128xf32, #tpu.memory_space<vmem>>) target(%dma_start3A_126 : memref<10240x128xf32, #tpu.memory_space<vmem_shared>>) offsets(%dma_start3A_123 : memref<128xi32, #tpu.memory_space<vmem>>) semaphore(%run_scoped3A : memref<!tpu.dma_semaphore, #tpu.memory_space<semaphore_mem>>) {add = true}
          %dma_wait3A_127 = arith.constant 0 : i32
          %dma_wait3A_128 = tpu.memref_slice %arg7[%mul3A_87, %dma_wait3A_127] : memref<32x128xi32, #tpu.memory_space<vmem>> -> memref<1x128xi32, #tpu.memory_space<vmem>>
          %dma_wait3A_129 = tpu.memref_squeeze %dma_wait3A_128 : memref<1x128xi32, #tpu.memory_space<vmem>> -> memref<128xi32, #tpu.memory_space<vmem>>
          %dma_wait3A_130 = arith.constant 0 : i32
          %dma_wait3A_131 = arith.constant 0 : i32
          %dma_wait3A_132 = tpu.memref_slice %arg10[%dma_wait3A_130, %dma_wait3A_131] : memref<10240x128xf32, #tpu.memory_space<vmem_shared>> -> memref<10240x128xf32, #tpu.memory_space<vmem_shared>>
          tpu.wait_indirect_dma semaphore(%run_scoped3A : memref<!tpu.dma_semaphore, #tpu.memory_space<semaphore_mem>>) src(%arg8 : memref<128x128xf32, #tpu.memory_space<vmem>>) dst(%dma_wait3A_132 : memref<10240x128xf32, #tpu.memory_space<vmem_shared>>)
          tpu.yield
        }) : () -> ()
        %add3A_102 = arith.constant 1 : i32
        %add3A_103 = arith.addi %add3A_89, %add3A_102 : i32
        %lt3A = arith.constant 32 : i32
        %lt3A_104 = arith.cmpi slt, %add3A_103, %lt3A : i32
        %add3A_105 = arith.constant 1 : i32
        %add3A_106 = arith.addi %add3A_89, %add3A_105 : i32
        %jit3A_107 = arith.constant 0 : i32
        %select_n3A_108 = arith.select %lt3A_104, %add3A_106, %jit3A_107 : i32
        %dma_start3A_109 = arith.constant 0 : i32
        %dma_start3A_110 = tpu.memref_slice %arg6[%select_n3A_108, %dma_start3A_109] : memref<32x128xi32, #tpu.memory_space<vmem>> -> memref<1x128xi32, #tpu.memory_space<vmem>>
        %dma_start3A_111 = tpu.memref_squeeze %dma_start3A_110 : memref<1x128xi32, #tpu.memory_space<vmem>> -> memref<128xi32, #tpu.memory_space<vmem>>
        %dma_start3A_112 = arith.constant 0 : i32
        %dma_start3A_113 = arith.constant 0 : i32
        %dma_start3A_114 = tpu.memref_slice %arg2[%dma_start3A_112, %dma_start3A_113] : memref<10240x128xf32, #tpu.memory_space<hbm>> -> memref<10240x128xf32, #tpu.memory_space<hbm>>
        tpu.enqueue_indirect_dma source(%dma_start3A_114 : memref<10240x128xf32, #tpu.memory_space<hbm>>) target(%arg8 : memref<128x128xf32, #tpu.memory_space<vmem>>) offsets(%dma_start3A_111 : memref<128xi32, #tpu.memory_space<vmem>>) semaphore(%arg11 : memref<!tpu.dma_semaphore, #tpu.memory_space<semaphore_mem>>)
        %dma_wait3A_115 = arith.constant 0 : i32
        %dma_wait3A_116 = tpu.memref_slice %arg6[%add3A_89, %dma_wait3A_115] : memref<32x128xi32, #tpu.memory_space<vmem>> -> memref<1x128xi32, #tpu.memory_space<vmem>>
        %dma_wait3A_117 = tpu.memref_squeeze %dma_wait3A_116 : memref<1x128xi32, #tpu.memory_space<vmem>> -> memref<128xi32, #tpu.memory_space<vmem>>
        %dma_wait3A_118 = arith.constant 0 : i32
        %dma_wait3A_119 = arith.constant 0 : i32
        %dma_wait3A_120 = tpu.memref_slice %arg2[%dma_wait3A_118, %dma_wait3A_119] : memref<10240x128xf32, #tpu.memory_space<hbm>> -> memref<10240x128xf32, #tpu.memory_space<hbm>>
        tpu.wait_indirect_dma semaphore(%arg12 : memref<!tpu.dma_semaphore, #tpu.memory_space<semaphore_mem>>) src(%dma_wait3A_120 : memref<10240x128xf32, #tpu.memory_space<hbm>>) dst(%arg9 : memref<128x128xf32, #tpu.memory_space<vmem>>)
        "tpu.region"() ({
          %run_scoped3A = tpu.sem_alloc : memref<!tpu.dma_semaphore, #tpu.memory_space<semaphore_mem>>
          %dma_start3A_121 = arith.constant 0 : i32
          %dma_start3A_122 = tpu.memref_slice %arg7[%add3A_89, %dma_start3A_121] : memref<32x128xi32, #tpu.memory_space<vmem>> -> memref<1x128xi32, #tpu.memory_space<vmem>>
          %dma_start3A_123 = tpu.memref_squeeze %dma_start3A_122 : memref<1x128xi32, #tpu.memory_space<vmem>> -> memref<128xi32, #tpu.memory_space<vmem>>
          %dma_start3A_124 = arith.constant 0 : i32
          %dma_start3A_125 = arith.constant 0 : i32
          %dma_start3A_126 = tpu.memref_slice %arg10[%dma_start3A_124, %dma_start3A_125] : memref<10240x128xf32, #tpu.memory_space<vmem_shared>> -> memref<10240x128xf32, #tpu.memory_space<vmem_shared>>
          tpu.enqueue_indirect_dma source(%arg9 : memref<128x128xf32, #tpu.memory_space<vmem>>) target(%dma_start3A_126 : memref<10240x128xf32, #tpu.memory_space<vmem_shared>>) offsets(%dma_start3A_123 : memref<128xi32, #tpu.memory_space<vmem>>) semaphore(%run_scoped3A : memref<!tpu.dma_semaphore, #tpu.memory_space<semaphore_mem>>) {add = true}
          %dma_wait3A_127 = arith.constant 0 : i32
          %dma_wait3A_128 = tpu.memref_slice %arg7[%add3A_89, %dma_wait3A_127] : memref<32x128xi32, #tpu.memory_space<vmem>> -> memref<1x128xi32, #tpu.memory_space<vmem>>
          %dma_wait3A_129 = tpu.memref_squeeze %dma_wait3A_128 : memref<1x128xi32, #tpu.memory_space<vmem>> -> memref<128xi32, #tpu.memory_space<vmem>>
          %dma_wait3A_130 = arith.constant 0 : i32
          %dma_wait3A_131 = arith.constant 0 : i32
          %dma_wait3A_132 = tpu.memref_slice %arg10[%dma_wait3A_130, %dma_wait3A_131] : memref<10240x128xf32, #tpu.memory_space<vmem_shared>> -> memref<10240x128xf32, #tpu.memory_space<vmem_shared>>
          tpu.wait_indirect_dma semaphore(%run_scoped3A : memref<!tpu.dma_semaphore, #tpu.memory_space<semaphore_mem>>) src(%arg9 : memref<128x128xf32, #tpu.memory_space<vmem>>) dst(%dma_wait3A_132 : memref<10240x128xf32, #tpu.memory_space<vmem_shared>>)
          tpu.yield
        }) : () -> ()
      }
      %scan3A_74 = arith.constant 16 : i32
      %dma_wait3A = arith.constant 0 : i32
      %dma_wait3A_75 = arith.constant 0 : i32
      %dma_wait3A_76 = tpu.memref_slice %arg6[%dma_wait3A, %dma_wait3A_75] : memref<32x128xi32, #tpu.memory_space<vmem>> -> memref<1x128xi32, #tpu.memory_space<vmem>>
      %dma_wait3A_77 = tpu.memref_squeeze %dma_wait3A_76 : memref<1x128xi32, #tpu.memory_space<vmem>> -> memref<128xi32, #tpu.memory_space<vmem>>
      %dma_wait3A_78 = arith.constant 0 : i32
      %dma_wait3A_79 = arith.constant 0 : i32
      %dma_wait3A_80 = tpu.memref_slice %arg2[%dma_wait3A_78, %dma_wait3A_79] : memref<10240x128xf32, #tpu.memory_space<hbm>> -> memref<10240x128xf32, #tpu.memory_space<hbm>>
      tpu.wait_indirect_dma semaphore(%arg11 : memref<!tpu.dma_semaphore, #tpu.memory_space<semaphore_mem>>) src(%dma_wait3A_80 : memref<10240x128xf32, #tpu.memory_space<hbm>>) dst(%arg8 : memref<128x128xf32, #tpu.memory_space<vmem>>)
    }
    %barrier3A_55 = arith.constant 0 : index
    tpu.barrier barrier_id(%barrier3A_55)
    %mul3A_56 = arith.constant 640 : i32
    %mul3A_57 = arith.muli %arg1, %mul3A_56 : i32
    "tpu.region"() ({
      %run_scoped3A = tpu.sem_alloc : memref<!tpu.dma_semaphore, #tpu.memory_space<semaphore_mem>>
      %dma_start3A = arith.constant 0 : i32
      %dma_start3A_58 = tpu.memref_slice %arg5[%arg0, %mul3A_57, %dma_start3A] : memref<2x10240x128xf32, #tpu.memory_space<hbm>> -> memref<1x640x128xf32, #tpu.memory_space<hbm>>
      %dma_start3A_59 = tpu.memref_squeeze %dma_start3A_58 : memref<1x640x128xf32, #tpu.memory_space<hbm>> -> memref<640x128xf32, #tpu.memory_space<hbm>>
      %dma_start3A_60 = arith.constant 0 : i32
      %dma_start3A_61 = tpu.memref_slice %arg10[%mul3A_57, %dma_start3A_60] : memref<10240x128xf32, #tpu.memory_space<vmem_shared>> -> memref<640x128xf32, #tpu.memory_space<vmem_shared>>
      tpu.enqueue_dma source(%dma_start3A_61 : memref<640x128xf32, #tpu.memory_space<vmem_shared>>) target(%dma_start3A_59 : memref<640x128xf32, #tpu.memory_space<hbm>>) target_semaphore(%run_scoped3A : memref<!tpu.dma_semaphore, #tpu.memory_space<semaphore_mem>>)
      %dma_wait3A = arith.constant 0 : i32
      %dma_wait3A_62 = tpu.memref_slice %arg5[%arg0, %mul3A_57, %dma_wait3A] : memref<2x10240x128xf32, #tpu.memory_space<hbm>> -> memref<1x640x128xf32, #tpu.memory_space<hbm>>
      %dma_wait3A_63 = tpu.memref_squeeze %dma_wait3A_62 : memref<1x640x128xf32, #tpu.memory_space<hbm>> -> memref<640x128xf32, #tpu.memory_space<hbm>>
      %dma_wait3A_64 = arith.constant 0 : i32
      %dma_wait3A_65 = tpu.memref_slice %arg10[%mul3A_57, %dma_wait3A_64] : memref<10240x128xf32, #tpu.memory_space<vmem_shared>> -> memref<640x128xf32, #tpu.memory_space<vmem_shared>>
      tpu.wait_dma2 semaphore(%run_scoped3A : memref<!tpu.dma_semaphore, #tpu.memory_space<semaphore_mem>>) src(%dma_wait3A_65 : memref<640x128xf32, #tpu.memory_space<vmem_shared>>) dst(%dma_wait3A_63 : memref<640x128xf32, #tpu.memory_space<hbm>>)
      tpu.yield
    }) : () -> ()
    return
  }
}

module attributes {stable_mosaic.version = 14 : i64} {
  func.func @_prep_body(%arg0: i32, %arg1: memref<512x128xf32, #tpu.memory_space<vmem>>, %arg2: memref<32x512xf32, #tpu.memory_space<vmem>>, %arg3: memref<512x128xf32, #tpu.memory_space<vmem>>, %arg4: memref<512x1xf32, #tpu.memory_space<vmem>>) attributes {dimension_semantics = [#tpu.dimension_semantics<arbitrary>], iteration_bounds = array<i64: 20>, scalar_prefetch = 0 : i64, scratch_operands = 0 : i64, tpu.core_type = #tpu.core_type<tc>, window_params = [{transform_indices = @transform_0, window_bounds = array<i64: 512, 128>}, {transform_indices = @transform_1, window_bounds = array<i64: 32, 512>}, {transform_indices = @transform_2, window_bounds = array<i64: 512, 128>}, {transform_indices = @transform_3, window_bounds = array<i64: 512, 1>}]} {
    %broadcast_in_dim3A = arith.constant 1.000000e+00 : f32
    %broadcast_in_dim3A_0 = vector.broadcast %broadcast_in_dim3A : f32 to vector<32x1xf32>
    %get3A = arith.constant 0 : index
    %get3A_1 = arith.constant 0 : index
    %get3A_2 = vector.load %arg2[%get3A, %get3A_1] : memref<32x512xf32, #tpu.memory_space<vmem>>, vector<32x512xf32>
    %dot_general3A = arith.constant dense<0.000000e+00> : vector<512x1xf32>
    %dot_general3A_3 = tpu.matmul %get3A_2, %broadcast_in_dim3A_0, %dot_general3A {dimension_numbers = #tpu.dot_dimension_numbers<[0], [0], [1], [1], [0, 1, 1, 1], [], []>, transpose_lhs_hint = false} : vector<32x512xf32>, vector<32x1xf32>, vector<512x1xf32> -> vector<512x1xf32>
    %add3A = arith.constant 1.000000e+00 : f32
    %add3A_4 = vector.broadcast %add3A : f32 to vector<512x1xf32>
    %add3A_5 = arith.addf %dot_general3A_3, %add3A_4 : vector<512x1xf32>
    %rsqrt3A = math.rsqrt %add3A_5 : vector<512x1xf32>
    %swap3A = arith.constant 0 : index
    %swap3A_6 = arith.constant 0 : index
    %swap3A_7 = vector.load %arg4[%swap3A, %swap3A_6] : memref<512x1xf32, #tpu.memory_space<vmem>>, vector<512x1xf32>
    tpu.vector_store %arg4[%swap3A, %swap3A_6], %rsqrt3A {strides = array<i32>} : memref<512x1xf32, #tpu.memory_space<vmem>>, vector<512x1xf32>,
    %get3A_8 = arith.constant 0 : index
    %get3A_9 = arith.constant 0 : index
    %get3A_10 = vector.load %arg1[%get3A_8, %get3A_9] : memref<512x128xf32, #tpu.memory_space<vmem>>, vector<512x128xf32>
    %mul3A = vector.broadcast %rsqrt3A : vector<512x1xf32> to vector<512x128xf32>
    %mul3A_11 = arith.mulf %get3A_10, %mul3A : vector<512x128xf32>
    %swap3A_12 = arith.constant 0 : index
    %swap3A_13 = arith.constant 0 : index
    %swap3A_14 = vector.load %arg3[%swap3A_12, %swap3A_13] : memref<512x128xf32, #tpu.memory_space<vmem>>, vector<512x128xf32>
    tpu.vector_store %arg3[%swap3A_12, %swap3A_13], %mul3A_11 {strides = array<i32>} : memref<512x128xf32, #tpu.memory_space<vmem>>, vector<512x128xf32>,
    return
  }
  func.func @transform_0(%arg0: i32) -> (i32, i32) {
    %c0_i32 = arith.constant 0 : i32
    %c0_i32_0 = arith.constant 0 : i32
    return %arg0, %c0_i32 : i32, i32
  }
  func.func @transform_1(%arg0: i32) -> (i32, i32) {
    %c0_i32 = arith.constant 0 : i32
    %c0_i32_0 = arith.constant 0 : i32
    return %c0_i32, %arg0 : i32, i32
  }
  func.func @transform_2(%arg0: i32) -> (i32, i32) {
    %c0_i32 = arith.constant 0 : i32
    %c0_i32_0 = arith.constant 0 : i32
    return %arg0, %c0_i32 : i32, i32
  }
  func.func @transform_3(%arg0: i32) -> (i32, i32) {
    %c0_i32 = arith.constant 0 : i32
    %c0_i32_0 = arith.constant 0 : i32
    return %arg0, %c0_i32 : i32, i32
  }
}

module attributes {stable_mosaic.version = 14 : i64} {
  func.func @_mid_body(%arg0: i32, %arg1: memref<2x512x128xf32, #tpu.memory_space<vmem>>, %arg2: memref<512x128xf32, #tpu.memory_space<vmem>>, %arg3: memref<512x1xf32, #tpu.memory_space<vmem>>, %arg4: memref<128x256xf32, #tpu.memory_space<vmem>>, %arg5: memref<1x256xf32, #tpu.memory_space<vmem>>, %arg6: memref<256x128xf32, #tpu.memory_space<vmem>>, %arg7: memref<512x128xf32, #tpu.memory_space<vmem>>) attributes {dimension_semantics = [#tpu.dimension_semantics<arbitrary>], iteration_bounds = array<i64: 20>, scalar_prefetch = 0 : i64, scratch_operands = 0 : i64, tpu.core_type = #tpu.core_type<tc>, window_params = [{transform_indices = @transform_0, window_bounds = array<i64: 2, 512, 128>}, {transform_indices = @transform_1, window_bounds = array<i64: 512, 128>}, {transform_indices = @transform_2, window_bounds = array<i64: 512, 1>}, {pipeline_mode = #tpu.pipeline_mode<synchronous>, transform_indices = @transform_3, window_bounds = array<i64: 128, 256>}, {pipeline_mode = #tpu.pipeline_mode<synchronous>, transform_indices = @transform_4, window_bounds = array<i64: 1, 256>}, {pipeline_mode = #tpu.pipeline_mode<synchronous>, transform_indices = @transform_5, window_bounds = array<i64: 256, 128>}, {transform_indices = @transform_6, window_bounds = array<i64: 512, 128>}]} {
    %get3A = arith.constant 0 : index
    %get3A_0 = arith.constant 0 : index
    %get3A_1 = vector.load %arg3[%get3A, %get3A_0] : memref<512x1xf32, #tpu.memory_space<vmem>>, vector<512x1xf32>
    %get3A_2 = arith.constant 0 : index
    %get3A_3 = arith.constant 0 : index
    %get3A_4 = arith.constant 0 : index
    %get3A_5 = vector.load %arg1[%get3A_2, %get3A_3, %get3A_4] : memref<2x512x128xf32, #tpu.memory_space<vmem>>, vector<1x512x128xf32>
    %get3A_6 = vector.shape_cast %get3A_5 : vector<1x512x128xf32> to vector<512x128xf32>
    %get3A_7 = arith.constant 1 : index
    %get3A_8 = arith.constant 0 : index
    %get3A_9 = arith.constant 0 : index
    %get3A_10 = vector.load %arg1[%get3A_7, %get3A_8, %get3A_9] : memref<2x512x128xf32, #tpu.memory_space<vmem>>, vector<1x512x128xf32>
    %get3A_11 = vector.shape_cast %get3A_10 : vector<1x512x128xf32> to vector<512x128xf32>
    %add3A = arith.addf %get3A_6, %get3A_11 : vector<512x128xf32>
    %get3A_12 = arith.constant 0 : index
    %get3A_13 = arith.constant 0 : index
    %get3A_14 = vector.load %arg2[%get3A_12, %get3A_13] : memref<512x128xf32, #tpu.memory_space<vmem>>, vector<512x128xf32>
    %add3A_15 = arith.addf %add3A, %get3A_14 : vector<512x128xf32>
    %mul3A = vector.broadcast %get3A_1 : vector<512x1xf32> to vector<512x128xf32>
    %mul3A_16 = arith.mulf %add3A_15, %mul3A : vector<512x128xf32>
    %get3A_17 = arith.constant 0 : index
    %get3A_18 = arith.constant 0 : index
    %get3A_19 = vector.load %arg4[%get3A_17, %get3A_18] : memref<128x256xf32, #tpu.memory_space<vmem>>, vector<128x256xf32>
    %dot_general3A = arith.constant dense<0.000000e+00> : vector<512x256xf32>
    %dot_general3A_20 = tpu.matmul %mul3A_16, %get3A_19, %dot_general3A {dimension_numbers = #tpu.dot_dimension_numbers<[1], [0], [0], [1], [0, 0, 1, 1], [], []>, transpose_lhs_hint = false} : vector<512x128xf32>, vector<128x256xf32>, vector<512x256xf32> -> vector<512x256xf32>
    %get3A_21 = arith.constant 0 : index
    %get3A_22 = arith.constant 0 : index
    %get3A_23 = vector.load %arg5[%get3A_21, %get3A_22] : memref<1x256xf32, #tpu.memory_space<vmem>>, vector<1x256xf32>
    %add3A_24 = vector.broadcast %get3A_23 : vector<1x256xf32> to vector<512x256xf32>
    %add3A_25 = arith.addf %dot_general3A_20, %add3A_24 : vector<512x256xf32>
    %tanh3A = math.tanh %add3A_25 : vector<512x256xf32>
    %get3A_26 = arith.constant 0 : index
    %get3A_27 = arith.constant 0 : index
    %get3A_28 = vector.load %arg6[%get3A_26, %get3A_27] : memref<256x128xf32, #tpu.memory_space<vmem>>, vector<256x128xf32>
    %dot_general3A_29 = arith.constant dense<0.000000e+00> : vector<512x128xf32>
    %dot_general3A_30 = tpu.matmul %tanh3A, %get3A_28, %dot_general3A_29 {dimension_numbers = #tpu.dot_dimension_numbers<[1], [0], [0], [1], [0, 0, 1, 1], [], []>, transpose_lhs_hint = false} : vector<512x256xf32>, vector<256x128xf32>, vector<512x128xf32> -> vector<512x128xf32>
    %mul3A_31 = vector.broadcast %get3A_1 : vector<512x1xf32> to vector<512x128xf32>
    %mul3A_32 = arith.mulf %dot_general3A_30, %mul3A_31 : vector<512x128xf32>
    %swap3A = arith.constant 0 : index
    %swap3A_33 = arith.constant 0 : index
    %swap3A_34 = vector.load %arg7[%swap3A, %swap3A_33] : memref<512x128xf32, #tpu.memory_space<vmem>>, vector<512x128xf32>
    tpu.vector_store %arg7[%swap3A, %swap3A_33], %mul3A_32 {strides = array<i32>} : memref<512x128xf32, #tpu.memory_space<vmem>>, vector<512x128xf32>,
    return
  }
  func.func @transform_0(%arg0: i32) -> (i32, i32, i32) {
    %c0_i32 = arith.constant 0 : i32
    %c0_i32_0 = arith.constant 0 : i32
    %c0_i32_1 = arith.constant 0 : i32
    return %c0_i32, %arg0, %c0_i32_0 : i32, i32, i32
  }
  func.func @transform_1(%arg0: i32) -> (i32, i32) {
    %c0_i32 = arith.constant 0 : i32
    %c0_i32_0 = arith.constant 0 : i32
    return %arg0, %c0_i32 : i32, i32
  }
  func.func @transform_2(%arg0: i32) -> (i32, i32) {
    %c0_i32 = arith.constant 0 : i32
    %c0_i32_0 = arith.constant 0 : i32
    return %arg0, %c0_i32 : i32, i32
  }
  func.func @transform_3(%arg0: i32) -> (i32, i32) {
    %c0_i32 = arith.constant 0 : i32
    %c0_i32_0 = arith.constant 0 : i32
    %c0_i32_1 = arith.constant 0 : i32
    return %c0_i32, %c0_i32_0 : i32, i32
  }
  func.func @transform_4(%arg0: i32) -> (i32, i32) {
    %c0_i32 = arith.constant 0 : i32
    %c0_i32_0 = arith.constant 0 : i32
    %c0_i32_1 = arith.constant 0 : i32
    return %c0_i32, %c0_i32_0 : i32, i32
  }
  func.func @transform_5(%arg0: i32) -> (i32, i32) {
    %c0_i32 = arith.constant 0 : i32
    %c0_i32_0 = arith.constant 0 : i32
    %c0_i32_1 = arith.constant 0 : i32
    return %c0_i32, %c0_i32_0 : i32, i32
  }
  func.func @transform_6(%arg0: i32) -> (i32, i32) {
    %c0_i32 = arith.constant 0 : i32
    %c0_i32_0 = arith.constant 0 : i32
    return %arg0, %c0_i32 : i32, i32
  }
}

module attributes {stable_mosaic.version = 14 : i64} {
  func.func @_final_body(%arg0: i32, %arg1: memref<2x512x128xf32, #tpu.memory_space<vmem>>, %arg2: memref<512x128xf32, #tpu.memory_space<vmem>>, %arg3: memref<512x1xf32, #tpu.memory_space<vmem>>, %arg4: memref<1x128xf32, #tpu.memory_space<vmem>>, %arg5: memref<512x128xf32, #tpu.memory_space<vmem>>) attributes {dimension_semantics = [#tpu.dimension_semantics<arbitrary>], iteration_bounds = array<i64: 20>, scalar_prefetch = 0 : i64, scratch_operands = 0 : i64, tpu.core_type = #tpu.core_type<tc>, window_params = [{transform_indices = @transform_0, window_bounds = array<i64: 2, 512, 128>}, {transform_indices = @transform_1, window_bounds = array<i64: 512, 128>}, {transform_indices = @transform_2, window_bounds = array<i64: 512, 1>}, {pipeline_mode = #tpu.pipeline_mode<synchronous>, transform_indices = @transform_3, window_bounds = array<i64: 1, 128>}, {transform_indices = @transform_4, window_bounds = array<i64: 512, 128>}]} {
    %get3A = arith.constant 0 : index
    %get3A_0 = arith.constant 0 : index
    %get3A_1 = arith.constant 0 : index
    %get3A_2 = vector.load %arg1[%get3A, %get3A_0, %get3A_1] : memref<2x512x128xf32, #tpu.memory_space<vmem>>, vector<1x512x128xf32>
    %get3A_3 = vector.shape_cast %get3A_2 : vector<1x512x128xf32> to vector<512x128xf32>
    %get3A_4 = arith.constant 1 : index
    %get3A_5 = arith.constant 0 : index
    %get3A_6 = arith.constant 0 : index
    %get3A_7 = vector.load %arg1[%get3A_4, %get3A_5, %get3A_6] : memref<2x512x128xf32, #tpu.memory_space<vmem>>, vector<1x512x128xf32>
    %get3A_8 = vector.shape_cast %get3A_7 : vector<1x512x128xf32> to vector<512x128xf32>
    %add3A = arith.addf %get3A_3, %get3A_8 : vector<512x128xf32>
    %get3A_9 = arith.constant 0 : index
    %get3A_10 = arith.constant 0 : index
    %get3A_11 = vector.load %arg2[%get3A_9, %get3A_10] : memref<512x128xf32, #tpu.memory_space<vmem>>, vector<512x128xf32>
    %add3A_12 = arith.addf %add3A, %get3A_11 : vector<512x128xf32>
    %get3A_13 = arith.constant 0 : index
    %get3A_14 = arith.constant 0 : index
    %get3A_15 = vector.load %arg3[%get3A_13, %get3A_14] : memref<512x1xf32, #tpu.memory_space<vmem>>, vector<512x1xf32>
    %mul3A = vector.broadcast %get3A_15 : vector<512x1xf32> to vector<512x128xf32>
    %mul3A_16 = arith.mulf %add3A_12, %mul3A : vector<512x128xf32>
    %get3A_17 = arith.constant 0 : index
    %get3A_18 = arith.constant 0 : index
    %get3A_19 = vector.load %arg4[%get3A_17, %get3A_18] : memref<1x128xf32, #tpu.memory_space<vmem>>, vector<1x128xf32>
    %add3A_20 = vector.broadcast %get3A_19 : vector<1x128xf32> to vector<512x128xf32>
    %add3A_21 = arith.addf %mul3A_16, %add3A_20 : vector<512x128xf32>
    %swap3A = arith.constant 0 : index
    %swap3A_22 = arith.constant 0 : index
    %swap3A_23 = vector.load %arg5[%swap3A, %swap3A_22] : memref<512x128xf32, #tpu.memory_space<vmem>>, vector<512x128xf32>
    tpu.vector_store %arg5[%swap3A, %swap3A_22], %add3A_21 {strides = array<i32>} : memref<512x128xf32, #tpu.memory_space<vmem>>, vector<512x128xf32>,
    return
  }
  func.func @transform_0(%arg0: i32) -> (i32, i32, i32) {
    %c0_i32 = arith.constant 0 : i32
    %c0_i32_0 = arith.constant 0 : i32
    %c0_i32_1 = arith.constant 0 : i32
    return %c0_i32, %arg0, %c0_i32_0 : i32, i32, i32
  }
  func.func @transform_1(%arg0: i32) -> (i32, i32) {
    %c0_i32 = arith.constant 0 : i32
    %c0_i32_0 = arith.constant 0 : i32
    return %arg0, %c0_i32 : i32, i32
  }
  func.func @transform_2(%arg0: i32) -> (i32, i32) {
    %c0_i32 = arith.constant 0 : i32
    %c0_i32_0 = arith.constant 0 : i32
    return %arg0, %c0_i32 : i32, i32
  }
  func.func @transform_3(%arg0: i32) -> (i32, i32) {
    %c0_i32 = arith.constant 0 : i32
    %c0_i32_0 = arith.constant 0 : i32
    %c0_i32_1 = arith.constant 0 : i32
    return %c0_i32, %c0_i32_0 : i32, i32
  }
  func.func @transform_4(%arg0: i32) -> (i32, i32) {
    %c0_i32 = arith.constant 0 : i32
    %c0_i32_0 = arith.constant 0 : i32
    return %arg0, %c0_i32 : i32, i32
  }
}

</mosaic_0001>

<sc_bundles>
// kernel: kernel.11.cloned.1.call-start
scs
__scs_entry_jumppad:
0x0: {  	(pc) =	sbr.rel $0x88, $3  }
0x1: {  	(tag) =	ssettag $0x0;
	lr =	simm.s32 $0x1  }
0x2: {  	[smem:$0x3F9B] =	sst lr;
	_ =	strace $0xD0000000  }
0x3: {  	_ = 	snop  }
0x4: {  	_ = 	snop  }
0x5: {  	_ = 	snop  }
0x6: {  	_ = 	snop  }
0x7: {  	_ = 	snop  }
__scs_overlays_trampoline_lowered:
0x8: {  	[smem:$0x3FAA] =	sst s0  }
0x9: {  	[smem:$0x3FAB] =	sst s1  }
0xa: {  	[smem:$0x3FAC] =	sst s2  }
0xb: {  	[smem:$0x3FAD] =	sst s3  }
0xc: {  	[smem:$0x3FAE] =	sst s4  }
0xd: {  	[smem:$0x3FAF] =	sst s5  }
0xe: {  	[smem:$0x3FB0] =	sst s6  }
0xf: {  	[smem:$0x3FB1] =	sst s7  }
0x10: {  	[smem:$0x3FB2] =	sst s8  }
0x11: {  	[smem:$0x3FB3] =	sst s9;
	s0 =	simm.s32 @!p0 $0x0  }
0x12: {  	s1 =	sld [smem:$0x3F99];
	s0 =	simm.s32 @p0 $0x1  }
0x13: {  	[smem:$0x3FB4] =	sst s0;
	s0 =	simm.s32 @!p1 $0x0  }
0x14: {  	s2 =	sld [smem:$0x3F98];
	s0 =	simm.s32 @p1 $0x1  }
0x15: {  	[smem:$0x3FB5] =	sst s0;
	s0 =	simm.s32 @!p2 $0x0  }
0x16: {  	s3 =	sld [smem:$0x3FDB];
	s0 =	simm.s32 @p2 $0x1  }
0x17: {  	s4 =	simm.s32 $0x1BF5;
	[smem:$0x3FB7] =	sst s0  }
0x18: {  	s0 =	sld [smem:$0x3F9A];
	_ =	swait.ge [sflag:s4], $0x0  }
0x19: {  	s7 =	sld [smem:$0x3F9B]  }
0x1a: {  	s8 =	sadd.s32 $0xFFFFE003, lr  }
0x1b: {  	s9 =	sadd.s32 $0xFFFFFEF7, lr;
	s5 =	simm.s32 $0xFFFFFFFF;
	p2 =	slt.u32 s8, $0xFFFFF086  }
0x1c: {  	p1 =	slt.u32 s9, $0xF7A;
	s5 =	simm.s32 @!p2 $0x0  }
0x1d: {  	s5 =	simm.s32 @p1 $0x1;
	p0 =	seq.s32 s7, s2  }
0x1e: {  	s7 =	smul.u32 @!p0 $0xF7A, s2;
	p2 =	seq.s32 @!p0 s5, $0x0  }
0x1f: {  	s9 =	smul.u32 $0xF7A, s1;
	s8 =	simm.s32 @!p0 $0x1BF5;
	p2 =	por !p2, p0  }
0x20: {  	[sflag:s8] =	ssyncset.s32 @!p0 $0xFFFFF086;
	s6 =	sadd.s32 @!p0 s3, s7;
	s7 =	simm.s32 @!p0 $0x108  }
0x21: {  	s3 =	sadd.s32 s3, s9;
	s6 =	sadd.s32 @!p0 $0x88, s6;
	s7 =	simm.s32 @p2 $0x1082  }
0x22: {  	[simem:s7], [sflag:s8] =	dma.local @!p0 [hbm:s6], $0xF7A  }
0x23: {  	s9 =	sor.u32 $0xD0000000, s2;
	s6 =	simm.s32 $0x108;
	_ =	swait.ge @!p0 [sflag:s8], $0x0  }
0x24: {  	s3 =	sadd.s32 $0x88, s3;
	s6 =	simm.s32 @!p1 $0x1082;
	[sflag:s4] =	ssyncset.s32 $0xFFFFF086  }
0x25: {  	[simem:s6], [sflag:s4] =	dma.local [hbm:s3], $0xF7A  }
0x26: {  	[smem:$0x3F9B] =	sst s1;
	(tag) =	ssettag s2;
	_ =	strace s9  }
0x27: {  	s1 =	sld [smem:$0x3FAB]  }
0x28: {  	s2 =	sld [smem:$0x3FAC]  }
0x29: {  	s4 =	sld [smem:$0x3FAE]  }
0x2a: {  	p0 =	seq.s32 s5, $0x0;
	s5 =	sld [smem:$0x3FAF]  }
0x2b: {  	s6 =	sld [smem:$0x3FB0]  }
0x2c: {  	s7 =	sld [smem:$0x3FB1]  }
0x2d: {  	s3 =	simm.s32 $0x108;
	s8 =	sld [smem:$0x3FB2]  }
0x2e: {  	s3 =	simm.s32 @!p0 $0x1082;
	s9 =	sld [smem:$0x3FB3]  }
0x2f: {  	lr =	sadd.s32 s0, s3;
	s0 =	sld [smem:$0x3FAA]  }
0x30: {  	s3 =	sld [smem:$0x3FAD]  }
0x31: {  	[smem:$0x3FB6] =	sst s10  }
0x32: {  	s10 =	sld [smem:$0x3FB4];
	_ =	sdelay $0x3  }
0x33: {  	p0 =	seq.s32 s10, $0x1;
	s10 =	sld [smem:$0x3FB6];
	_ =	sdelay $0x3  }
0x34: {  	[smem:$0x3FB6] =	sst s10  }
0x35: {  	s10 =	sld [smem:$0x3FB5];
	_ =	sdelay $0x3  }
0x36: {  	p1 =	seq.s32 s10, $0x1;
	s10 =	sld [smem:$0x3FB6];
	_ =	sdelay $0x3  }
0x37: {  	[smem:$0x3FB6] =	sst s10  }
0x38: {  	s10 =	sld [smem:$0x3FB7]  }
0x39: {  	_ = 	snop;
	(pc) =	sbr.ind lr, $3  }
0x3a: {  	_ = 	snop  }
0x3b: {  	_ = 	snop  }
0x3c: {  	p2 =	seq.s32 s10, $0x1;
	s10 =	sld [smem:$0x3FB6]  }
0x3d: {  	_ =	shalt  }
0x3e: {  	_ =	shalt  }
0x3f: {  	_ =	shalt  }
0x40: {  	_ =	shalt  }
0x41: {  	_ =	shalt  }
0x42: {  	_ =	shalt  }
0x43: {  	_ =	shalt  }
0x44: {  	_ =	shalt  }
0x45: {  	_ =	shalt  }
0x46: {  	_ =	shalt  }
0x47: {  	_ =	shalt  }
0x48: {  	_ =	shalt  }
0x49: {  	_ =	shalt  }
0x4a: {  	_ =	shalt  }
0x4b: {  	_ =	shalt  }
0x4c: {  	_ =	shalt  }
0x4d: {  	_ =	shalt  }
0x4e: {  	_ =	shalt  }
0x4f: {  	_ =	shalt  }
0x50: {  	_ =	shalt  }
0x51: {  	_ =	shalt  }
0x52: {  	_ =	shalt  }
0x53: {  	_ =	shalt  }
0x54: {  	_ =	shalt  }
0x55: {  	_ =	shalt  }
0x56: {  	_ =	shalt  }
0x57: {  	_ =	shalt  }
0x58: {  	_ =	shalt  }
0x59: {  	_ =	shalt  }
0x5a: {  	_ =	shalt  }
0x5b: {  	_ =	shalt  }
0x5c: {  	_ =	shalt  }
0x5d: {  	_ =	shalt  }
0x5e: {  	_ =	shalt  }
0x5f: {  	_ =	shalt  }
0x60: {  	_ =	shalt  }
0x61: {  	_ =	shalt  }
0x62: {  	_ =	shalt  }
0x63: {  	_ =	shalt  }
0x64: {  	_ =	shalt  }
0x65: {  	_ =	shalt  }
0x66: {  	_ =	shalt  }
0x67: {  	_ =	shalt  }
0x68: {  	_ =	shalt  }
0x69: {  	_ =	shalt  }
0x6a: {  	_ =	shalt  }
0x6b: {  	_ =	shalt  }
0x6c: {  	_ =	shalt  }
0x6d: {  	_ =	shalt  }
0x6e: {  	_ =	shalt  }
0x6f: {  	_ =	shalt  }
0x70: {  	_ =	shalt  }
0x71: {  	_ =	shalt  }
0x72: {  	_ =	shalt  }
0x73: {  	_ =	shalt  }
0x74: {  	_ =	shalt  }
0x75: {  	_ =	shalt  }
0x76: {  	_ =	shalt  }
0x77: {  	_ =	shalt  }
0x78: {  	_ =	shalt  }
0x79: {  	_ =	shalt  }
0x7a: {  	_ =	shalt  }
0x7b: {  	_ =	shalt  }
0x7c: {  	_ =	shalt  }
0x7d: {  	_ =	shalt  }
0x7e: {  	_ =	shalt  }
0x7f: {  	_ =	shalt  }
0x80: {  	_ =	shalt  }
0x81: {  	_ =	shalt  }
0x82: {  	_ =	shalt  }
0x83: {  	_ =	shalt  }
0x84: {  	_ =	shalt  }
0x85: {  	_ =	shalt  }
0x86: {  	_ =	shalt  }
0x87: {  	_ =	shalt  }
.Lfunc_end0:
.L_simem_size_0:
called_computation.1_lowered:
.L_overlay_start_0:
0x88: {  	s2 =	sld [smem:$0x3FD9]  }
0x89: {  	s3 =	sld [smem:$0x3FFE];
	_ =	sdelay $0x1  }
0x8a: {  	s1 =	srdreg.scid  }
0x8b: {  	s0 =	sand.u32 $0x1, s1  }
0x8c: {  	s17 =	sshll.u32 s0, $0xA;
	s2 =	sadd.s32 s3, s2  }
0x8d: {  	s2 =	sadd.s32 s2, s17  }
0x8e: {  	[smem:$0x3FC2] =	sst s2  }
0x8f: {  	_ = 	snop  }
0x90: {  	s2 =	sld [smem:$0x3FD0];
	(tm) =	ssettm $0x1  }
0x91: {  	s18 =	sld [smem:$0x3FFB];
	_ =	sdelay $0x3  }
0x92: {  	_ =	strace s18  }
0x93: {  	s3 =	sld [smem:$0x3FFC];
	_ =	sdelay $0x3  }
0x94: {  	_ =	strace s3  }
0x95: {  	s3 =	sld [smem:$0x3FFD];
	_ =	sdelay $0x3  }
0x96: {  	_ =	strace s3  }
0x97: {  	_ =	strace $0x8FFFFFFF  }
0x98: {  	s19 =	sld [smem:$0x3FDB];
	_ =	sdelay $0x1  }
0x99: {  	s4 =	simm.s32 $_scs_section_size  }
0x9a: {  	s5 =	simm.s32 $_size__tile_overlayer_lowered;
	s6 =	simm.s32 $_tile_overlayer_lowered  }
0x9b: {  	s22 =	simm.s32 $0x1BFF;
	s21 =	sshll.u32 s6, $0x1;
	s3 =	sadd.s32 s4, s19  }
0x9c: {  	s7 =	simm.s32 $0x0;
	s20 =	sshll.u32 s5, $0x1;
	s5 =	sadd.s32 s21, s3  }
0x9d: {  	[timem:s7], [sflag:s22] =	dma.local [hbm:s5], s20  }
0x9e: {  	_ =	swait.ge [sflag:s22], s20  }
0x9f: {  	s4 =	ssub.s32 $0x0, s20;
	[sflag:s22] =	ssyncset.done $0x0  }
0xa0: {  	[sflag:s22] =	ssyncadd.s32 s4;
	_ =	sdelay $0x1  }
0xa1: {  	s23 =	simm.s32 $0x1B8B  }
0xa2: {  	_ =	swait.ge [sflag:s23], $0x1  }
0xa3: {  	[sflag:s23] =	ssyncset.done $0x0  }
0xa4: {  	s25 =	simm.s32 $0x1B8E;
	s24 =	sld [smem:$0x3FFE];
	[sflag:s23] =	ssyncadd.s32 $0xFFFFFFFF  }
0xa5: {  	s26 =	simm.s32 $execute0_lowered;
	[smem:$0x3FD2] =	sst s25  }
0xa6: {  	s5 =	sshll.u32 s26, $0x1;
	_ =	strace $0x80000049;
	[dreg:$0x1] =	wrdreg $0xFFFFFFFF  }
0xa7: {  	s28 =	simm.s32 $_size_execute0_lowered;
	s3 =	sadd.s32 s3, s5;
	[dreg:$0x0] =	wrdreg $0x0  }
0xa8: {  	s5 =	sshll.u32 s28, $0x1;
	[dreg:$0x2] =	wrdreg s3  }
0xa9: {  	[dreg:$0x3] =	wrdreg s5  }
0xaa: {  	[dreg:$0x4] =	wrdreg $0xC0  }
0xab: {  	_ =	task [dreg:s7], $0x5FFFF  }
0xac: {  	[dreg:$0x1] =	wrdreg $0xFFFFFFFF  }
0xad: {  	[dreg:$0x0] =	wrdreg $0x60  }
0xae: {  	[dreg:$0x2] =	wrdreg s24  }
0xaf: {  	[dreg:$0x3] =	wrdreg s2  }
0xb0: {  	[dreg:$0x4] =	wrdreg $0xA0000  }
0xb1: {  	[dreg:$0x5] =	wrdreg $0x9  }
0xb2: {  	_ =	task.clear_ibuf [dreg:s7], $0x6FFFF;
	_ =	strace $0x90000049  }
0xb3: {  	s29 =	simm.s32 $0x9;
	_ =	strace $0x8000004B  }
0xb4: {  	_ =	swait.ge [sflag:s29], $0x1  }
0xb5: {  	[sflag:s29] =	ssyncadd.s32 $0xFFFFFFFF  }
0xb6: {  	_ =	strace $0x9000004B  }
0xb7: {  	_ =	sfence  }
0xb8: {  	s30 =	sld [smem:$0x0];
	_ =	sdelay $0x2  }
0xb9: {  	s31 =	sshll.u32 s1, $0xD;
	s1 =	sshrl.u32 s1, $0x2  }
0xba: {  	s3 =	sand.u32 $0x4000, s31;
	s1 =	sadd.s32 s1, s30  }
0xbb: {  	s0 =	sor.u32 s3, s0;
	s1 =	sshll.u32 s1, $0x11  }
0xbc: {  	s0 =	sor.u32 s1, s0  }
0xbd: {  	s0 =	sadd.s32 $0x8F2B, s0  }
0xbe: {  	[sflag:s0] =	ssyncadd.remote.s32 $0x1  }
0xbf: {  	_ =	sfence.sel $0xFFFF  }
0xc0: {  	[dreg:$0x0] =	wrdreg $0xFFFFFFFF;
	(pc) =	sbr.abs _section_cstart, $3  }
0xc1: {  	[dreg:$0x1] =	wrdreg $0xFFFFFFFF  }
0xc2: {  	_ =	task.clear_ibuf [dreg:s7], $0x2FFFF;
	_ =	strace $0x9FFFFFFF  }
0xc3: {  	(tm) =	ssettm $0x7FFFFFFF  }
tec
execute0_lowered:
.L_overlay_start_1:
0x0: {  	(tag) =	ssettag $0x1  }
0x1: {  	s7 =	rddreg [dreg:$0x0]  }
0x2: {  	s2 =	rddreg [dreg:$0x1];
	s0 =	srdreg.scid  }
0x3: {  	s3 =	rddreg [dreg:$0x2];
	s29 =	stileid.u32;
	s4 =	simm.s32 $0x0  }
0x4: {  	s15 =	simm.s32 $0x2000;
	s16 =	simm.s32 $0x3;
	s17 =	simm.s32 $0x1000  }
0x5: {  	s18 =	simm.s32 $0x80;
	s19 =	simm.s32 $0x6000;
	s20 =	simm.s32 $0x1  }
0x6: {  	s21 =	simm.s32 $0x2;
	s23 =	simm.s32 $0x1F00;
	s24 =	simm.s32 $0x1F80  }
0x7: {  	s25 =	simm.s32 $0x0;
	s22 =	sand.u32 $0x1, s0;
	s6 =	smul.u32 $0x14000, s29  }
0x8: {  	[smem:$0x7FF] =	sst s4;
	s10 =	smul.u32 $0x50000, s29;
	s31 =	sshll.u32 s29, $0xC  }
0x9: {  	s12 =	sshll.u32 s29, $0xE;
	s5 =	smul.u32 $0x140000, s22;
	s30 =	ssub.s32 $0x2, s22  }
0xa: {  	_ =	strace $0x8000004A;
	p0 =	seq.s32 s22, $0x0;
	s11 =	sshrl.u32 s30, $0x1  }
0xb: {  	s10 =	sshrl.u32 s10, $0x2;
	s8 =	sadd.s32 s6, s5;
	s5 =	sadd.s32 $0x20800, s7  }
0xc: {  	s6 =	sadd.s32 $0x16800, s7;
	s11 =	ssub.s32 s30, s11;
	s8 =	sshrl.u32 s8, $0x3  }
0xd: {  	s9 =	sadd.s32 s8, s7;
	s7 =	sor.u32 $0x40000, s31;
	s8 =	sadd.s32 s10, s3  }
0xe: {  	s10 =	smax.u32 s11, $0x1;
	s7 =	smov.u32 @p0 s12;
	s9 =	sadd.s32 $0x48800, s9  }
0xf: {  	s11 =	sadd.s32 $0x4000, s8;
	s12 =	sadd.s32 $0x8000, s8;
	s13 =	sadd.s32 $0xC000, s8  }
0x10: {  	v0 =	vimm.f32 $0.0e+00;
	s14 =	sadd.s32 $0x10000, s8;
	p0 =	sne.s32 s22, $0x0;
	s22 =	simm.s32 $0xF80  }
.LBB2_1:
0x11: {  	s26 =	simm.s32 $0x0;
	s28 =	simm.s32 $0x200  }
.LBB2_2:
0x12: {  	p1 =	sne.s32 s28, $0xFE00;
	[tilespmem:s26+$0x2070] =	vst v0  }
0x13: {  	[tilespmem:s26+$0x2000] =	vst v0  }
0x14: {  	[tilespmem:s26+$0x2010] =	vst v0  }
.Ltmp0:
0x15: {  	[tilespmem:s26+$0x2020] =	vst v0;
	(pc) =	sbr.rel @p1 .LBB2_2-.Ltmp0, $4  }
0x16: {  	[tilespmem:s26+$0x2030] =	vst v0  }
0x17: {  	[tilespmem:s26+$0x2040] =	vst v0  }
0x18: {  	[tilespmem:s26+$0x2050] =	vst v0  }
0x19: {  	[tilespmem:s26+$0x2060] =	vst v0;
	s26 =	sshra.s32 s28, $0x2;
	s28 =	sadd.s32 $0x200, s28  }
0x1a: {  	[tilespmem:s26+$0x2070] =	vst v0  }
0x1b: {  	[tilespmem:s26+$0x2000] =	vst v0  }
0x1c: {  	[tilespmem:s26+$0x2010] =	vst v0  }
0x1d: {  	[tilespmem:s26+$0x2020] =	vst v0  }
0x1e: {  	[tilespmem:s26+$0x2030] =	vst v0  }
0x1f: {  	[tilespmem:s26+$0x2040] =	vst v0  }
0x20: {  	[tilespmem:s26+$0x2050] =	vst v0  }
0x21: {  	[tilespmem:s26+$0x2060] =	vst v0  }
0x22: {  	[spmem:s8] =	stream.linear.scatter [tilespmem:s15], [sflag:$0x3], $0x4000, $0x38;
	[tilespmem:$0x1E000] =	vst v63  }
0x23: {  	_ =	swait.ge [sflag:s16], $0x4000  }
0x24: {  	[sflag:s16] =	ssyncset.done $0x0  }
0x25: {  	[sflag:s16] =	ssyncadd.s32 $0xFFFFC000  }
0x26: {  	[spmem:s11] =	stream.linear.scatter [tilespmem:s15], [sflag:$0x3], $0x4000, $0x38;
	[tilespmem:$0x1E000] =	vst v63  }
0x27: {  	_ =	swait.ge [sflag:s16], $0x4000  }
0x28: {  	[sflag:s16] =	ssyncset.done $0x0  }
0x29: {  	[sflag:s16] =	ssyncadd.s32 $0xFFFFC000  }
0x2a: {  	[spmem:s12] =	stream.linear.scatter [tilespmem:s15], [sflag:$0x3], $0x4000, $0x38;
	[tilespmem:$0x1E000] =	vst v63  }
0x2b: {  	_ =	swait.ge [sflag:s16], $0x4000  }
0x2c: {  	[sflag:s16] =	ssyncset.done $0x0  }
0x2d: {  	[sflag:s16] =	ssyncadd.s32 $0xFFFFC000  }
0x2e: {  	[spmem:s13] =	stream.linear.scatter [tilespmem:s15], [sflag:$0x3], $0x4000, $0x38;
	[tilespmem:$0x1E000] =	vst v63  }
0x2f: {  	_ =	swait.ge [sflag:s16], $0x4000  }
0x30: {  	[sflag:s16] =	ssyncset.done $0x0  }
0x31: {  	[sflag:s16] =	ssyncadd.s32 $0xFFFFC000  }
0x32: {  	[spmem:s14] =	stream.linear.scatter [tilespmem:s15], [sflag:$0x3], $0x4000, $0x38;
	[tilespmem:$0x1E000] =	vst v63  }
0x33: {  	_ =	swait.ge [sflag:s16], $0x4000  }
0x34: {  	[sflag:s16] =	ssyncset.done $0x0  }
0x35: {  	[sflag:s16] =	ssyncadd.s32 $0xFFFFC000  }
0x36: {  	s26 =	simm.s32 $0x0;
	s28 =	simm.s32 $0x0;
	[bflag:$0x0] =	sbarrier.arrive $0xFFFF  }
.LBB2_4:
0x37: {  	s29 =	sshll.u32 s28, $0xC  }
0x38: {  	s29 =	sadd.s32 s7, s29  }
0x39: {  	s29 =	sshrl.u32 s29, $0x3  }
0x3a: {  	s30 =	sadd.s32 s6, s29  }
0x3b: {  	[tilespmem:s26], [sflag:$0x3] =	stream.linear.gather [hbm4b:s30+s26], $0x1000, $0x38;
	[tilespmem:$0x1E000] =	vst v63  }
0x3c: {  	_ =	swait.ge [sflag:s16], $0x1000  }
0x3d: {  	[sflag:s16] =	ssyncset.done $0x0  }
0x3e: {  	s29 =	sadd.s32 s2, s29;
	[sflag:s16] =	ssyncadd.s32 $0xFFFFF000  }
0x3f: {  	[tilespmem:s17], [sflag:$0x3] =	stream.linear.gather [hbm4b:s29+s26], $0x1000, $0x38;
	[tilespmem:$0x1E000] =	vst v63  }
0x40: {  	_ =	swait.ge [sflag:s16], $0x1000  }
0x41: {  	[sflag:s16] =	ssyncset.done $0x0  }
0x42: {  	[sflag:s16] =	ssyncadd.s32 $0xFFFFF000  }
0x43: {  	[tilespmem:s15], [sflag:$0x1] =	stream.indirect.gather [hbm4b:s5+s18], $0x80, s26, s18, $0xb8;
	[tilespmem:$0x1E000] =	vst v63  }
0x44: {  	s29 =	simm.s32 $0x80  }
0x45: {  	[tilespmem:s19], [sflag:$0x2] =	stream.indirect.gather [hbm4b:s5+s18], $0x80, s29, s18, $0xb8;
	[tilespmem:$0x1E000] =	vst v63  }
0x46: {  	_ =	swait.ge [sflag:s20], $0x4000  }
0x47: {  	[sflag:s20] =	ssyncset.done $0x0  }
0x48: {  	s29 =	simm.s32 $0x1000;
	[sflag:s20] =	ssyncadd.s32 $0xFFFFC000  }
0x49: {  	[spmem:s3] =	stream.indirect.scatter.add.f32 [tilespmem:s15], [sflag:$0x3], $0x80, s29, s18, $0xb8;
	[tilespmem:$0x1E000] =	vst v63  }
0x4a: {  	_ =	swait.ge [sflag:s16], $0x4000  }
0x4b: {  	[sflag:s16] =	ssyncset.done $0x0  }
0x4c: {  	s29 =	simm.s32 $0x100;
	[sflag:s16] =	ssyncadd.s32 $0xFFFFC000  }
0x4d: {  	[tilespmem:s15], [sflag:$0x1] =	stream.indirect.gather [hbm4b:s5+s18], $0x80, s29, s18, $0xb8;
	[tilespmem:$0x1E000] =	vst v63  }
0x4e: {  	_ =	swait.ge [sflag:s21], $0x4000  }
0x4f: {  	[sflag:s21] =	ssyncset.done $0x0  }
0x50: {  	s29 =	simm.s32 $0x1080;
	[sflag:s21] =	ssyncadd.s32 $0xFFFFC000  }
0x51: {  	[spmem:s3] =	stream.indirect.scatter.add.f32 [tilespmem:s19], [sflag:$0x3], $0x80, s29, s18, $0xb8;
	[tilespmem:$0x1E000] =	vst v63  }
0x52: {  	_ =	swait.ge [sflag:s16], $0x4000  }
0x53: {  	s30 =	simm.s32 $0x800;
	s29 =	simm.s32 $0x100;
	[sflag:s16] =	ssyncset.done $0x0  }
.LBB2_5:
0x54: {  	s31 =	sadd.s32 $0x80, s29  }
0x55: {  	[sflag:s16] =	ssyncadd.s32 $0xFFFFC000;
	s0 =	smov.u32 s30;
	s1 =	sadd.s32 $0x400, s30  }
0x56: {  	[tilespmem:s19], [sflag:$0x2] =	stream.indirect.gather [hbm4b:s5+s18], $0x80, s31, s18, $0xb8;
	[tilespmem:$0x1E000] =	vst v63  }
0x57: {  	p1 =	sne.s32 s30, $0x3800;
	_ =	swait.ge [sflag:s20], $0x4000  }
0x58: {  	[sflag:s20] =	ssyncset.done $0x0  }
0x59: {  	s30 =	sadd.s32 $0x1000, s29;
	[sflag:s20] =	ssyncadd.s32 $0xFFFFC000  }
0x5a: {  	[spmem:s3] =	stream.indirect.scatter.add.f32 [tilespmem:s15], [sflag:$0x3], $0x80, s30, s18, $0xb8;
	[tilespmem:$0x1E000] =	vst v63  }
0x5b: {  	_ =	swait.ge [sflag:s16], $0x4000  }
0x5c: {  	[sflag:s16] =	ssyncset.done $0x0  }
0x5d: {  	s30 =	sadd.s32 $0x100, s29;
	[sflag:s16] =	ssyncadd.s32 $0xFFFFC000  }
0x5e: {  	[tilespmem:s15], [sflag:$0x1] =	stream.indirect.gather [hbm4b:s5+s18], $0x80, s30, s18, $0xb8;
	[tilespmem:$0x1E000] =	vst v63  }
0x5f: {  	_ =	swait.ge [sflag:s21], $0x4000  }
.Ltmp1:
0x60: {  	[sflag:s21] =	ssyncset.done $0x0;
	(pc) =	sbr.rel @p1 .LBB2_5-.Ltmp1, $4  }
0x61: {  	s29 =	sadd.s32 $0x1080, s29;
	[sflag:s21] =	ssyncadd.s32 $0xFFFFC000  }
0x62: {  	[spmem:s3] =	stream.indirect.scatter.add.f32 [tilespmem:s19], [sflag:$0x3], $0x80, s29, s18, $0xb8;
	[tilespmem:$0x1E000] =	vst v63  }
0x63: {  	_ =	swait.ge [sflag:s16], $0x4000  }
0x64: {  	s30 =	smov.u32 s1;
	s29 =	sshra.s32 s0, $0x2;
	[sflag:s16] =	ssyncset.done $0x0  }
0x65: {  	s0 =	sadd.s32 $0x80, s29;
	[sflag:s16] =	ssyncadd.s32 $0xFFFFC000  }
0x66: {  	[tilespmem:s19], [sflag:$0x2] =	stream.indirect.gather [hbm4b:s5+s18], $0x80, s0, s18, $0xb8;
	[tilespmem:$0x1E000] =	vst v63  }
0x67: {  	_ =	swait.ge [sflag:s20], $0x4000  }
0x68: {  	[sflag:s20] =	ssyncset.done $0x0  }
0x69: {  	s1 =	sadd.s32 $0x1000, s29;
	[sflag:s20] =	ssyncadd.s32 $0xFFFFC000  }
0x6a: {  	[spmem:s3] =	stream.indirect.scatter.add.f32 [tilespmem:s15], [sflag:$0x3], $0x80, s1, s18, $0xb8;
	[tilespmem:$0x1E000] =	vst v63  }
0x6b: {  	_ =	swait.ge [sflag:s16], $0x4000  }
0x6c: {  	[sflag:s16] =	ssyncset.done $0x0  }
0x6d: {  	s30 =	sadd.s32 $0x100, s29;
	[sflag:s16] =	ssyncadd.s32 $0xFFFFC000  }
0x6e: {  	[tilespmem:s15], [sflag:$0x1] =	stream.indirect.gather [hbm4b:s5+s18], $0x80, s30, s18, $0xb8;
	[tilespmem:$0x1E000] =	vst v63  }
0x6f: {  	_ =	swait.ge [sflag:s21], $0x4000  }
0x70: {  	[sflag:s21] =	ssyncset.done $0x0  }
0x71: {  	s31 =	sadd.s32 $0x1080, s29;
	[sflag:s21] =	ssyncadd.s32 $0xFFFFC000  }
0x72: {  	[spmem:s3] =	stream.indirect.scatter.add.f32 [tilespmem:s19], [sflag:$0x3], $0x80, s31, s18, $0xb8;
	[tilespmem:$0x1E000] =	vst v63  }
0x73: {  	_ =	swait.ge [sflag:s16], $0x4000  }
0x74: {  	[sflag:s16] =	ssyncset.done $0x0  }
0x75: {  	[sflag:s16] =	ssyncadd.s32 $0xFFFFC000  }
0x76: {  	[tilespmem:s19], [sflag:$0x2] =	stream.indirect.gather [hbm4b:s5+s18], $0x80, s22, s18, $0xb8;
	[tilespmem:$0x1E000] =	vst v63  }
0x77: {  	_ =	swait.ge [sflag:s20], $0x4000  }
0x78: {  	[sflag:s20] =	ssyncset.done $0x0  }
0x79: {  	[sflag:s20] =	ssyncadd.s32 $0xFFFFC000  }
0x7a: {  	[spmem:s3] =	stream.indirect.scatter.add.f32 [tilespmem:s15], [sflag:$0x3], $0x80, s23, s18, $0xb8;
	[tilespmem:$0x1E000] =	vst v63  }
0x7b: {  	_ =	swait.ge [sflag:s16], $0x4000  }
0x7c: {  	[sflag:s16] =	ssyncset.done $0x0  }
0x7d: {  	[sflag:s16] =	ssyncadd.s32 $0xFFFFC000  }
0x7e: {  	[tilespmem:s15], [sflag:$0x1] =	stream.indirect.gather [hbm4b:s5+s18], $0x80, s4, s18, $0xb8;
	[tilespmem:$0x1E000] =	vst v63  }
0x7f: {  	_ =	swait.ge [sflag:s21], $0x4000  }
0x80: {  	[sflag:s21] =	ssyncset.done $0x0  }
0x81: {  	p1 =	slt.u32 @!p0 s28, $0x3;
	[sflag:s21] =	ssyncadd.s32 $0xFFFFC000  }
0x82: {  	[spmem:s3] =	stream.indirect.scatter.add.f32 [tilespmem:s19], [sflag:$0x3], $0x80, s24, s18, $0xb8;
	[tilespmem:$0x1E000] =	vst v63  }
0x83: {  	p1 =	por p0, !p1;
	_ =	swait.ge [sflag:s16], $0x4000  }
.Ltmp2:
0x84: {  	[sflag:s16] =	ssyncset.done $0x0;
	(pc) =	sbr.rel @!p1 .LBB2_4-.Ltmp2, $4  }
0x85: {  	[sflag:s16] =	ssyncadd.s32 $0xFFFFC000  }
0x86: {  	_ =	swait.ge [sflag:s20], $0x4000  }
0x87: {  	[sflag:s20] =	ssyncset.done $0x0  }
0x88: {  	s28 =	sadd.s32 $0x1, s28;
	[sflag:s20] =	ssyncadd.s32 $0xFFFFC000  }
0x89: {  	s0 =	stileid.u32;
	s25 =	sadd.s32 $0x1, s25  }
0x8a: {  	[bflag:$0x0] =	sbarrier.arrive $0xFFFF;
	s0 =	sshll.u32 s0, $0x6;
	p1 =	sne.s32 s25, s10  }
.Ltmp3:
0x8b: {  	s1 =	sshrl.u32 s8, $0x3;
	s0 =	sor.u32 $0x1C03, s0;
	(pc) =	sbr.rel @p1 .LBB2_1-.Ltmp3, $4  }
0x8c: {  	[hbm:s9], [sflag:s0] =	dma.local [spmem:s1], $0x2800  }
0x8d: {  	_ =	swait.ge [sflag:s16], $0x2800  }
0x8e: {  	[sflag:s16] =	ssyncset.done $0x0  }
0x8f: {  	[sflag:s16] =	ssyncadd.s32 $0xFFFFD800  }
0x90: {  	_ =	sfence.sel $0x180000  }
0x91: {  	[bflag:$0x0] =	sbarrier.arrive $0xFFFF  }
0x92: {  	_ =	strace $0x9000004A  }
0x93: {  	s0 =	stileid.u32;
	[bflag:$0x2] =	sbarrier.arrive $0xFFFF  }
0x94: {  	p0 =	sne.s32 s0, $0x0;
	s0 =	rddreg [dreg:$0x3]  }
0x95: {  	s0 =	sadd.s32 @!p0 $0x100000, s0  }
0x96: {  	[sflag:s0] =	ssyncadd.tile.s32 @!p0 $0x1;
	_ =	shalt  }
.Lfunc_end2:
_tile_overlayer_lowered:
.L_overlay_start_2:
0x97: {  	(tag) =	ssettag $0x2  }
0x98: {  	s0 =	rddreg [dreg:$0x0];
	s2 =	stileid.u32  }
0x99: {  	s1 =	rddreg [dreg:$0x1];
	p0 =	sne.s32 s2, $0x0  }
0x9a: {  	s3 =	rddreg [dreg:$0x2];
	[bflag:$0x3] =	sbarrier.arrive $0xFFFF;
	s2 =	simm.s32 @!p0 $0x1C03  }
0x9b: {  	[timem:s3], [sflag:s2] =	dma.local @!p0 [hbm:s0], s1  }
0x9c: {  	s0 =	simm.s32 @!p0 $0x3  }
0x9d: {  	_ =	swait.ge @!p0 [sflag:s0], s1  }
0x9e: {  	s1 =	ssub.s32 @!p0 $0x0, s1;
	[sflag:s0] =	ssyncset.done @!p0 $0x0  }
0x9f: {  	[sflag:s0] =	ssyncadd.s32 @!p0 s1  }
0xa0: {  	[bflag:$0x3] =	sbarrier.arrive $0xFFFF  }
0xa1: {  	_ =	shalt  }

// kernel: kernel.14.cloned.1.call-start
scs
__scs_entry_jumppad:
0x0: {  	(pc) =	sbr.rel $0x88, $3  }
0x1: {  	(tag) =	ssettag $0x0;
	lr =	simm.s32 $0x1  }
0x2: {  	[smem:$0x3F9B] =	sst lr;
	_ =	strace $0xD0000000  }
0x3: {  	_ = 	snop  }
0x4: {  	_ = 	snop  }
0x5: {  	_ = 	snop  }
0x6: {  	_ = 	snop  }
0x7: {  	_ = 	snop  }
__scs_overlays_trampoline_lowered:
0x8: {  	[smem:$0x3FAA] =	sst s0  }
0x9: {  	[smem:$0x3FAB] =	sst s1  }
0xa: {  	[smem:$0x3FAC] =	sst s2  }
0xb: {  	[smem:$0x3FAD] =	sst s3  }
0xc: {  	[smem:$0x3FAE] =	sst s4  }
0xd: {  	[smem:$0x3FAF] =	sst s5  }
0xe: {  	[smem:$0x3FB0] =	sst s6  }
0xf: {  	[smem:$0x3FB1] =	sst s7  }
0x10: {  	[smem:$0x3FB2] =	sst s8  }
0x11: {  	[smem:$0x3FB3] =	sst s9;
	s0 =	simm.s32 @!p0 $0x0  }
0x12: {  	s1 =	sld [smem:$0x3F99];
	s0 =	simm.s32 @p0 $0x1  }
0x13: {  	[smem:$0x3FB4] =	sst s0;
	s0 =	simm.s32 @!p1 $0x0  }
0x14: {  	s2 =	sld [smem:$0x3F98];
	s0 =	simm.s32 @p1 $0x1  }
0x15: {  	[smem:$0x3FB5] =	sst s0;
	s0 =	simm.s32 @!p2 $0x0  }
0x16: {  	s3 =	sld [smem:$0x3FDB];
	s0 =	simm.s32 @p2 $0x1  }
0x17: {  	s4 =	simm.s32 $0x1BF5;
	[smem:$0x3FB7] =	sst s0  }
0x18: {  	s0 =	sld [smem:$0x3F9A];
	_ =	swait.ge [sflag:s4], $0x0  }
0x19: {  	s7 =	sld [smem:$0x3F9B]  }
0x1a: {  	s8 =	sadd.s32 $0xFFFFE003, lr  }
0x1b: {  	s9 =	sadd.s32 $0xFFFFFEF7, lr;
	s5 =	simm.s32 $0xFFFFFFFF;
	p2 =	slt.u32 s8, $0xFFFFF086  }
0x1c: {  	p1 =	slt.u32 s9, $0xF7A;
	s5 =	simm.s32 @!p2 $0x0  }
0x1d: {  	s5 =	simm.s32 @p1 $0x1;
	p0 =	seq.s32 s7, s2  }
0x1e: {  	s7 =	smul.u32 @!p0 $0xF7A, s2;
	p2 =	seq.s32 @!p0 s5, $0x0  }
0x1f: {  	s9 =	smul.u32 $0xF7A, s1;
	s8 =	simm.s32 @!p0 $0x1BF5;
	p2 =	por !p2, p0  }
0x20: {  	[sflag:s8] =	ssyncset.s32 @!p0 $0xFFFFF086;
	s6 =	sadd.s32 @!p0 s3, s7;
	s7 =	simm.s32 @!p0 $0x108  }
0x21: {  	s3 =	sadd.s32 s3, s9;
	s6 =	sadd.s32 @!p0 $0x88, s6;
	s7 =	simm.s32 @p2 $0x1082  }
0x22: {  	[simem:s7], [sflag:s8] =	dma.local @!p0 [hbm:s6], $0xF7A  }
0x23: {  	s9 =	sor.u32 $0xD0000000, s2;
	s6 =	simm.s32 $0x108;
	_ =	swait.ge @!p0 [sflag:s8], $0x0  }
0x24: {  	s3 =	sadd.s32 $0x88, s3;
	s6 =	simm.s32 @!p1 $0x1082;
	[sflag:s4] =	ssyncset.s32 $0xFFFFF086  }
0x25: {  	[simem:s6], [sflag:s4] =	dma.local [hbm:s3], $0xF7A  }
0x26: {  	[smem:$0x3F9B] =	sst s1;
	(tag) =	ssettag s2;
	_ =	strace s9  }
0x27: {  	s1 =	sld [smem:$0x3FAB]  }
0x28: {  	s2 =	sld [smem:$0x3FAC]  }
0x29: {  	s4 =	sld [smem:$0x3FAE]  }
0x2a: {  	p0 =	seq.s32 s5, $0x0;
	s5 =	sld [smem:$0x3FAF]  }
0x2b: {  	s6 =	sld [smem:$0x3FB0]  }
0x2c: {  	s7 =	sld [smem:$0x3FB1]  }
0x2d: {  	s3 =	simm.s32 $0x108;
	s8 =	sld [smem:$0x3FB2]  }
0x2e: {  	s3 =	simm.s32 @!p0 $0x1082;
	s9 =	sld [smem:$0x3FB3]  }
0x2f: {  	lr =	sadd.s32 s0, s3;
	s0 =	sld [smem:$0x3FAA]  }
0x30: {  	s3 =	sld [smem:$0x3FAD]  }
0x31: {  	[smem:$0x3FB6] =	sst s10  }
0x32: {  	s10 =	sld [smem:$0x3FB4];
	_ =	sdelay $0x3  }
0x33: {  	p0 =	seq.s32 s10, $0x1;
	s10 =	sld [smem:$0x3FB6];
	_ =	sdelay $0x3  }
0x34: {  	[smem:$0x3FB6] =	sst s10  }
0x35: {  	s10 =	sld [smem:$0x3FB5];
	_ =	sdelay $0x3  }
0x36: {  	p1 =	seq.s32 s10, $0x1;
	s10 =	sld [smem:$0x3FB6];
	_ =	sdelay $0x3  }
0x37: {  	[smem:$0x3FB6] =	sst s10  }
0x38: {  	s10 =	sld [smem:$0x3FB7]  }
0x39: {  	_ = 	snop;
	(pc) =	sbr.ind lr, $3  }
0x3a: {  	_ = 	snop  }
0x3b: {  	_ = 	snop  }
0x3c: {  	p2 =	seq.s32 s10, $0x1;
	s10 =	sld [smem:$0x3FB6]  }
0x3d: {  	_ =	shalt  }
0x3e: {  	_ =	shalt  }
0x3f: {  	_ =	shalt  }
0x40: {  	_ =	shalt  }
0x41: {  	_ =	shalt  }
0x42: {  	_ =	shalt  }
0x43: {  	_ =	shalt  }
0x44: {  	_ =	shalt  }
0x45: {  	_ =	shalt  }
0x46: {  	_ =	shalt  }
0x47: {  	_ =	shalt  }
0x48: {  	_ =	shalt  }
0x49: {  	_ =	shalt  }
0x4a: {  	_ =	shalt  }
0x4b: {  	_ =	shalt  }
0x4c: {  	_ =	shalt  }
0x4d: {  	_ =	shalt  }
0x4e: {  	_ =	shalt  }
0x4f: {  	_ =	shalt  }
0x50: {  	_ =	shalt  }
0x51: {  	_ =	shalt  }
0x52: {  	_ =	shalt  }
0x53: {  	_ =	shalt  }
0x54: {  	_ =	shalt  }
0x55: {  	_ =	shalt  }
0x56: {  	_ =	shalt  }
0x57: {  	_ =	shalt  }
0x58: {  	_ =	shalt  }
0x59: {  	_ =	shalt  }
0x5a: {  	_ =	shalt  }
0x5b: {  	_ =	shalt  }
0x5c: {  	_ =	shalt  }
0x5d: {  	_ =	shalt  }
0x5e: {  	_ =	shalt  }
0x5f: {  	_ =	shalt  }
0x60: {  	_ =	shalt  }
0x61: {  	_ =	shalt  }
0x62: {  	_ =	shalt  }
0x63: {  	_ =	shalt  }
0x64: {  	_ =	shalt  }
0x65: {  	_ =	shalt  }
0x66: {  	_ =	shalt  }
0x67: {  	_ =	shalt  }
0x68: {  	_ =	shalt  }
0x69: {  	_ =	shalt  }
0x6a: {  	_ =	shalt  }
0x6b: {  	_ =	shalt  }
0x6c: {  	_ =	shalt  }
0x6d: {  	_ =	shalt  }
0x6e: {  	_ =	shalt  }
0x6f: {  	_ =	shalt  }
0x70: {  	_ =	shalt  }
0x71: {  	_ =	shalt  }
0x72: {  	_ =	shalt  }
0x73: {  	_ =	shalt  }
0x74: {  	_ =	shalt  }
0x75: {  	_ =	shalt  }
0x76: {  	_ =	shalt  }
0x77: {  	_ =	shalt  }
0x78: {  	_ =	shalt  }
0x79: {  	_ =	shalt  }
0x7a: {  	_ =	shalt  }
0x7b: {  	_ =	shalt  }
0x7c: {  	_ =	shalt  }
0x7d: {  	_ =	shalt  }
0x7e: {  	_ =	shalt  }
0x7f: {  	_ =	shalt  }
0x80: {  	_ =	shalt  }
0x81: {  	_ =	shalt  }
0x82: {  	_ =	shalt  }
0x83: {  	_ =	shalt  }
0x84: {  	_ =	shalt  }
0x85: {  	_ =	shalt  }
0x86: {  	_ =	shalt  }
0x87: {  	_ =	shalt  }
.Lfunc_end0:
.L_simem_size_0:
called_computation.2_lowered:
.L_overlay_start_0:
0x88: {  	s2 =	sld [smem:$0x3FD9]  }
0x89: {  	s3 =	sld [smem:$0x3FFE];
	_ =	sdelay $0x1  }
0x8a: {  	s1 =	srdreg.scid  }
0x8b: {  	s0 =	sand.u32 $0x1, s1  }
0x8c: {  	s17 =	sshll.u32 s0, $0xA;
	s2 =	sadd.s32 s3, s2  }
0x8d: {  	s2 =	sadd.s32 s2, s17  }
0x8e: {  	[smem:$0x3FC2] =	sst s2  }
0x8f: {  	_ = 	snop  }
0x90: {  	s2 =	sld [smem:$0x3FD0];
	(tm) =	ssettm $0x1  }
0x91: {  	s18 =	sld [smem:$0x3FFB];
	_ =	sdelay $0x3  }
0x92: {  	_ =	strace s18  }
0x93: {  	s3 =	sld [smem:$0x3FFC];
	_ =	sdelay $0x3  }
0x94: {  	_ =	strace s3  }
0x95: {  	s3 =	sld [smem:$0x3FFD];
	_ =	sdelay $0x3  }
0x96: {  	_ =	strace s3  }
0x97: {  	_ =	strace $0x8FFFFFFF  }
0x98: {  	s19 =	sld [smem:$0x3FDB];
	_ =	sdelay $0x1  }
0x99: {  	s4 =	simm.s32 $_scs_section_size  }
0x9a: {  	s5 =	simm.s32 $_size__tile_overlayer_lowered;
	s6 =	simm.s32 $_tile_overlayer_lowered  }
0x9b: {  	s22 =	simm.s32 $0x1BFF;
	s21 =	sshll.u32 s6, $0x1;
	s3 =	sadd.s32 s4, s19  }
0x9c: {  	s7 =	simm.s32 $0x0;
	s20 =	sshll.u32 s5, $0x1;
	s5 =	sadd.s32 s21, s3  }
0x9d: {  	[timem:s7], [sflag:s22] =	dma.local [hbm:s5], s20  }
0x9e: {  	_ =	swait.ge [sflag:s22], s20  }
0x9f: {  	s4 =	ssub.s32 $0x0, s20;
	[sflag:s22] =	ssyncset.done $0x0  }
0xa0: {  	[sflag:s22] =	ssyncadd.s32 s4;
	_ =	sdelay $0x1  }
0xa1: {  	s23 =	simm.s32 $0x1B8B  }
0xa2: {  	_ =	swait.ge [sflag:s23], $0x1  }
0xa3: {  	[sflag:s23] =	ssyncset.done $0x0  }
0xa4: {  	s25 =	simm.s32 $0x1B8E;
	s24 =	sld [smem:$0x3FFE];
	[sflag:s23] =	ssyncadd.s32 $0xFFFFFFFF  }
0xa5: {  	s26 =	simm.s32 $execute0_lowered;
	[smem:$0x3FD2] =	sst s25  }
0xa6: {  	s5 =	sshll.u32 s26, $0x1;
	_ =	strace $0x8000004C;
	[dreg:$0x1] =	wrdreg $0xFFFFFFFF  }
0xa7: {  	s28 =	simm.s32 $_size_execute0_lowered;
	s3 =	sadd.s32 s3, s5;
	[dreg:$0x0] =	wrdreg $0x0  }
0xa8: {  	s5 =	sshll.u32 s28, $0x1;
	[dreg:$0x2] =	wrdreg s3  }
0xa9: {  	[dreg:$0x3] =	wrdreg s5  }
0xaa: {  	[dreg:$0x4] =	wrdreg $0xC0  }
0xab: {  	_ =	task [dreg:s7], $0x5FFFF  }
0xac: {  	[dreg:$0x1] =	wrdreg $0xFFFFFFFF  }
0xad: {  	[dreg:$0x0] =	wrdreg $0x60  }
0xae: {  	[dreg:$0x2] =	wrdreg s24  }
0xaf: {  	[dreg:$0x3] =	wrdreg s2  }
0xb0: {  	[dreg:$0x4] =	wrdreg $0xA0000  }
0xb1: {  	[dreg:$0x5] =	wrdreg $0x9  }
0xb2: {  	_ =	task.clear_ibuf [dreg:s7], $0x6FFFF;
	_ =	strace $0x9000004C  }
0xb3: {  	s29 =	simm.s32 $0x9;
	_ =	strace $0x8000004E  }
0xb4: {  	_ =	swait.ge [sflag:s29], $0x1  }
0xb5: {  	[sflag:s29] =	ssyncadd.s32 $0xFFFFFFFF  }
0xb6: {  	_ =	strace $0x9000004E  }
0xb7: {  	_ =	sfence  }
0xb8: {  	s30 =	sld [smem:$0x0];
	_ =	sdelay $0x2  }
0xb9: {  	s31 =	sshll.u32 s1, $0xD;
	s1 =	sshrl.u32 s1, $0x2  }
0xba: {  	s3 =	sand.u32 $0x4000, s31;
	s1 =	sadd.s32 s1, s30  }
0xbb: {  	s0 =	sor.u32 s3, s0;
	s1 =	sshll.u32 s1, $0x11  }
0xbc: {  	s0 =	sor.u32 s1, s0  }
0xbd: {  	s0 =	sadd.s32 $0x8F2B, s0  }
0xbe: {  	[sflag:s0] =	ssyncadd.remote.s32 $0x1  }
0xbf: {  	_ =	sfence.sel $0xFFFF  }
0xc0: {  	[dreg:$0x0] =	wrdreg $0xFFFFFFFF;
	(pc) =	sbr.abs _section_cstart, $3  }
0xc1: {  	[dreg:$0x1] =	wrdreg $0xFFFFFFFF  }
0xc2: {  	_ =	task.clear_ibuf [dreg:s7], $0x2FFFF;
	_ =	strace $0x9FFFFFFF  }
0xc3: {  	(tm) =	ssettm $0x7FFFFFFF  }
tec
execute0_lowered:
.L_overlay_start_1:
0x0: {  	(tag) =	ssettag $0x1  }
0x1: {  	s7 =	rddreg [dreg:$0x0]  }
0x2: {  	s2 =	rddreg [dreg:$0x1];
	s0 =	srdreg.scid  }
0x3: {  	s3 =	rddreg [dreg:$0x2];
	s29 =	stileid.u32;
	s4 =	simm.s32 $0x0  }
0x4: {  	s15 =	simm.s32 $0x2000;
	s16 =	simm.s32 $0x3;
	s17 =	simm.s32 $0x1000  }
0x5: {  	s18 =	simm.s32 $0x80;
	s19 =	simm.s32 $0x6000;
	s20 =	simm.s32 $0x1  }
0x6: {  	s21 =	simm.s32 $0x2;
	s23 =	simm.s32 $0x1F00;
	s24 =	simm.s32 $0x1F80  }
0x7: {  	s25 =	simm.s32 $0x0;
	s22 =	sand.u32 $0x1, s0;
	s6 =	smul.u32 $0x14000, s29  }
0x8: {  	[smem:$0x7FF] =	sst s4;
	s10 =	smul.u32 $0x50000, s29;
	s31 =	sshll.u32 s29, $0xC  }
0x9: {  	s12 =	sshll.u32 s29, $0xE;
	s5 =	smul.u32 $0x140000, s22;
	s30 =	ssub.s32 $0x2, s22  }
0xa: {  	_ =	strace $0x8000004D;
	p0 =	seq.s32 s22, $0x0;
	s11 =	sshrl.u32 s30, $0x1  }
0xb: {  	s10 =	sshrl.u32 s10, $0x2;
	s8 =	sadd.s32 s6, s5;
	s5 =	sadd.s32 $0x20800, s7  }
0xc: {  	s6 =	sadd.s32 $0x16800, s7;
	s11 =	ssub.s32 s30, s11;
	s8 =	sshrl.u32 s8, $0x3  }
0xd: {  	s9 =	sadd.s32 s8, s7;
	s7 =	sor.u32 $0x40000, s31;
	s8 =	sadd.s32 s10, s3  }
0xe: {  	s10 =	smax.u32 s11, $0x1;
	s7 =	smov.u32 @p0 s12;
	s9 =	sadd.s32 $0x48800, s9  }
0xf: {  	s11 =	sadd.s32 $0x4000, s8;
	s12 =	sadd.s32 $0x8000, s8;
	s13 =	sadd.s32 $0xC000, s8  }
0x10: {  	v0 =	vimm.f32 $0.0e+00;
	s14 =	sadd.s32 $0x10000, s8;
	p0 =	sne.s32 s22, $0x0;
	s22 =	simm.s32 $0xF80  }
.LBB2_1:
0x11: {  	s26 =	simm.s32 $0x0;
	s28 =	simm.s32 $0x200  }
.LBB2_2:
0x12: {  	p1 =	sne.s32 s28, $0xFE00;
	[tilespmem:s26+$0x2070] =	vst v0  }
0x13: {  	[tilespmem:s26+$0x2000] =	vst v0  }
0x14: {  	[tilespmem:s26+$0x2010] =	vst v0  }
.Ltmp0:
0x15: {  	[tilespmem:s26+$0x2020] =	vst v0;
	(pc) =	sbr.rel @p1 .LBB2_2-.Ltmp0, $4  }
0x16: {  	[tilespmem:s26+$0x2030] =	vst v0  }
0x17: {  	[tilespmem:s26+$0x2040] =	vst v0  }
0x18: {  	[tilespmem:s26+$0x2050] =	vst v0  }
0x19: {  	[tilespmem:s26+$0x2060] =	vst v0;
	s26 =	sshra.s32 s28, $0x2;
	s28 =	sadd.s32 $0x200, s28  }
0x1a: {  	[tilespmem:s26+$0x2070] =	vst v0  }
0x1b: {  	[tilespmem:s26+$0x2000] =	vst v0  }
0x1c: {  	[tilespmem:s26+$0x2010] =	vst v0  }
0x1d: {  	[tilespmem:s26+$0x2020] =	vst v0  }
0x1e: {  	[tilespmem:s26+$0x2030] =	vst v0  }
0x1f: {  	[tilespmem:s26+$0x2040] =	vst v0  }
0x20: {  	[tilespmem:s26+$0x2050] =	vst v0  }
0x21: {  	[tilespmem:s26+$0x2060] =	vst v0  }
0x22: {  	[spmem:s8] =	stream.linear.scatter [tilespmem:s15], [sflag:$0x3], $0x4000, $0x38;
	[tilespmem:$0x1E000] =	vst v63  }
0x23: {  	_ =	swait.ge [sflag:s16], $0x4000  }
0x24: {  	[sflag:s16] =	ssyncset.done $0x0  }
0x25: {  	[sflag:s16] =	ssyncadd.s32 $0xFFFFC000  }
0x26: {  	[spmem:s11] =	stream.linear.scatter [tilespmem:s15], [sflag:$0x3], $0x4000, $0x38;
	[tilespmem:$0x1E000] =	vst v63  }
0x27: {  	_ =	swait.ge [sflag:s16], $0x4000  }
0x28: {  	[sflag:s16] =	ssyncset.done $0x0  }
0x29: {  	[sflag:s16] =	ssyncadd.s32 $0xFFFFC000  }
0x2a: {  	[spmem:s12] =	stream.linear.scatter [tilespmem:s15], [sflag:$0x3], $0x4000, $0x38;
	[tilespmem:$0x1E000] =	vst v63  }
0x2b: {  	_ =	swait.ge [sflag:s16], $0x4000  }
0x2c: {  	[sflag:s16] =	ssyncset.done $0x0  }
0x2d: {  	[sflag:s16] =	ssyncadd.s32 $0xFFFFC000  }
0x2e: {  	[spmem:s13] =	stream.linear.scatter [tilespmem:s15], [sflag:$0x3], $0x4000, $0x38;
	[tilespmem:$0x1E000] =	vst v63  }
0x2f: {  	_ =	swait.ge [sflag:s16], $0x4000  }
0x30: {  	[sflag:s16] =	ssyncset.done $0x0  }
0x31: {  	[sflag:s16] =	ssyncadd.s32 $0xFFFFC000  }
0x32: {  	[spmem:s14] =	stream.linear.scatter [tilespmem:s15], [sflag:$0x3], $0x4000, $0x38;
	[tilespmem:$0x1E000] =	vst v63  }
0x33: {  	_ =	swait.ge [sflag:s16], $0x4000  }
0x34: {  	[sflag:s16] =	ssyncset.done $0x0  }
0x35: {  	[sflag:s16] =	ssyncadd.s32 $0xFFFFC000  }
0x36: {  	s26 =	simm.s32 $0x0;
	s28 =	simm.s32 $0x0;
	[bflag:$0x0] =	sbarrier.arrive $0xFFFF  }
.LBB2_4:
0x37: {  	s29 =	sshll.u32 s28, $0xC  }
0x38: {  	s29 =	sadd.s32 s7, s29  }
0x39: {  	s29 =	sshrl.u32 s29, $0x3  }
0x3a: {  	s30 =	sadd.s32 s6, s29  }
0x3b: {  	[tilespmem:s26], [sflag:$0x3] =	stream.linear.gather [hbm4b:s30+s26], $0x1000, $0x38;
	[tilespmem:$0x1E000] =	vst v63  }
0x3c: {  	_ =	swait.ge [sflag:s16], $0x1000  }
0x3d: {  	[sflag:s16] =	ssyncset.done $0x0  }
0x3e: {  	s29 =	sadd.s32 s2, s29;
	[sflag:s16] =	ssyncadd.s32 $0xFFFFF000  }
0x3f: {  	[tilespmem:s17], [sflag:$0x3] =	stream.linear.gather [hbm4b:s29+s26], $0x1000, $0x38;
	[tilespmem:$0x1E000] =	vst v63  }
0x40: {  	_ =	swait.ge [sflag:s16], $0x1000  }
0x41: {  	[sflag:s16] =	ssyncset.done $0x0  }
0x42: {  	[sflag:s16] =	ssyncadd.s32 $0xFFFFF000  }
0x43: {  	[tilespmem:s15], [sflag:$0x1] =	stream.indirect.gather [hbm4b:s5+s18], $0x80, s26, s18, $0xb8;
	[tilespmem:$0x1E000] =	vst v63  }
0x44: {  	s29 =	simm.s32 $0x80  }
0x45: {  	[tilespmem:s19], [sflag:$0x2] =	stream.indirect.gather [hbm4b:s5+s18], $0x80, s29, s18, $0xb8;
	[tilespmem:$0x1E000] =	vst v63  }
0x46: {  	_ =	swait.ge [sflag:s20], $0x4000  }
0x47: {  	[sflag:s20] =	ssyncset.done $0x0  }
0x48: {  	s29 =	simm.s32 $0x1000;
	[sflag:s20] =	ssyncadd.s32 $0xFFFFC000  }
0x49: {  	[spmem:s3] =	stream.indirect.scatter.add.f32 [tilespmem:s15], [sflag:$0x3], $0x80, s29, s18, $0xb8;
	[tilespmem:$0x1E000] =	vst v63  }
0x4a: {  	_ =	swait.ge [sflag:s16], $0x4000  }
0x4b: {  	[sflag:s16] =	ssyncset.done $0x0  }
0x4c: {  	s29 =	simm.s32 $0x100;
	[sflag:s16] =	ssyncadd.s32 $0xFFFFC000  }
0x4d: {  	[tilespmem:s15], [sflag:$0x1] =	stream.indirect.gather [hbm4b:s5+s18], $0x80, s29, s18, $0xb8;
	[tilespmem:$0x1E000] =	vst v63  }
0x4e: {  	_ =	swait.ge [sflag:s21], $0x4000  }
0x4f: {  	[sflag:s21] =	ssyncset.done $0x0  }
0x50: {  	s29 =	simm.s32 $0x1080;
	[sflag:s21] =	ssyncadd.s32 $0xFFFFC000  }
0x51: {  	[spmem:s3] =	stream.indirect.scatter.add.f32 [tilespmem:s19], [sflag:$0x3], $0x80, s29, s18, $0xb8;
	[tilespmem:$0x1E000] =	vst v63  }
0x52: {  	_ =	swait.ge [sflag:s16], $0x4000  }
0x53: {  	s30 =	simm.s32 $0x800;
	s29 =	simm.s32 $0x100;
	[sflag:s16] =	ssyncset.done $0x0  }
.LBB2_5:
0x54: {  	s31 =	sadd.s32 $0x80, s29  }
0x55: {  	[sflag:s16] =	ssyncadd.s32 $0xFFFFC000;
	s0 =	smov.u32 s30;
	s1 =	sadd.s32 $0x400, s30  }
0x56: {  	[tilespmem:s19], [sflag:$0x2] =	stream.indirect.gather [hbm4b:s5+s18], $0x80, s31, s18, $0xb8;
	[tilespmem:$0x1E000] =	vst v63  }
0x57: {  	p1 =	sne.s32 s30, $0x3800;
	_ =	swait.ge [sflag:s20], $0x4000  }
0x58: {  	[sflag:s20] =	ssyncset.done $0x0  }
0x59: {  	s30 =	sadd.s32 $0x1000, s29;
	[sflag:s20] =	ssyncadd.s32 $0xFFFFC000  }
0x5a: {  	[spmem:s3] =	stream.indirect.scatter.add.f32 [tilespmem:s15], [sflag:$0x3], $0x80, s30, s18, $0xb8;
	[tilespmem:$0x1E000] =	vst v63  }
0x5b: {  	_ =	swait.ge [sflag:s16], $0x4000  }
0x5c: {  	[sflag:s16] =	ssyncset.done $0x0  }
0x5d: {  	s30 =	sadd.s32 $0x100, s29;
	[sflag:s16] =	ssyncadd.s32 $0xFFFFC000  }
0x5e: {  	[tilespmem:s15], [sflag:$0x1] =	stream.indirect.gather [hbm4b:s5+s18], $0x80, s30, s18, $0xb8;
	[tilespmem:$0x1E000] =	vst v63  }
0x5f: {  	_ =	swait.ge [sflag:s21], $0x4000  }
.Ltmp1:
0x60: {  	[sflag:s21] =	ssyncset.done $0x0;
	(pc) =	sbr.rel @p1 .LBB2_5-.Ltmp1, $4  }
0x61: {  	s29 =	sadd.s32 $0x1080, s29;
	[sflag:s21] =	ssyncadd.s32 $0xFFFFC000  }
0x62: {  	[spmem:s3] =	stream.indirect.scatter.add.f32 [tilespmem:s19], [sflag:$0x3], $0x80, s29, s18, $0xb8;
	[tilespmem:$0x1E000] =	vst v63  }
0x63: {  	_ =	swait.ge [sflag:s16], $0x4000  }
0x64: {  	s30 =	smov.u32 s1;
	s29 =	sshra.s32 s0, $0x2;
	[sflag:s16] =	ssyncset.done $0x0  }
0x65: {  	s0 =	sadd.s32 $0x80, s29;
	[sflag:s16] =	ssyncadd.s32 $0xFFFFC000  }
0x66: {  	[tilespmem:s19], [sflag:$0x2] =	stream.indirect.gather [hbm4b:s5+s18], $0x80, s0, s18, $0xb8;
	[tilespmem:$0x1E000] =	vst v63  }
0x67: {  	_ =	swait.ge [sflag:s20], $0x4000  }
0x68: {  	[sflag:s20] =	ssyncset.done $0x0  }
0x69: {  	s1 =	sadd.s32 $0x1000, s29;
	[sflag:s20] =	ssyncadd.s32 $0xFFFFC000  }
0x6a: {  	[spmem:s3] =	stream.indirect.scatter.add.f32 [tilespmem:s15], [sflag:$0x3], $0x80, s1, s18, $0xb8;
	[tilespmem:$0x1E000] =	vst v63  }
0x6b: {  	_ =	swait.ge [sflag:s16], $0x4000  }
0x6c: {  	[sflag:s16] =	ssyncset.done $0x0  }
0x6d: {  	s30 =	sadd.s32 $0x100, s29;
	[sflag:s16] =	ssyncadd.s32 $0xFFFFC000  }
0x6e: {  	[tilespmem:s15], [sflag:$0x1] =	stream.indirect.gather [hbm4b:s5+s18], $0x80, s30, s18, $0xb8;
	[tilespmem:$0x1E000] =	vst v63  }
0x6f: {  	_ =	swait.ge [sflag:s21], $0x4000  }
0x70: {  	[sflag:s21] =	ssyncset.done $0x0  }
0x71: {  	s31 =	sadd.s32 $0x1080, s29;
	[sflag:s21] =	ssyncadd.s32 $0xFFFFC000  }
0x72: {  	[spmem:s3] =	stream.indirect.scatter.add.f32 [tilespmem:s19], [sflag:$0x3], $0x80, s31, s18, $0xb8;
	[tilespmem:$0x1E000] =	vst v63  }
0x73: {  	_ =	swait.ge [sflag:s16], $0x4000  }
0x74: {  	[sflag:s16] =	ssyncset.done $0x0  }
0x75: {  	[sflag:s16] =	ssyncadd.s32 $0xFFFFC000  }
0x76: {  	[tilespmem:s19], [sflag:$0x2] =	stream.indirect.gather [hbm4b:s5+s18], $0x80, s22, s18, $0xb8;
	[tilespmem:$0x1E000] =	vst v63  }
0x77: {  	_ =	swait.ge [sflag:s20], $0x4000  }
0x78: {  	[sflag:s20] =	ssyncset.done $0x0  }
0x79: {  	[sflag:s20] =	ssyncadd.s32 $0xFFFFC000  }
0x7a: {  	[spmem:s3] =	stream.indirect.scatter.add.f32 [tilespmem:s15], [sflag:$0x3], $0x80, s23, s18, $0xb8;
	[tilespmem:$0x1E000] =	vst v63  }
0x7b: {  	_ =	swait.ge [sflag:s16], $0x4000  }
0x7c: {  	[sflag:s16] =	ssyncset.done $0x0  }
0x7d: {  	[sflag:s16] =	ssyncadd.s32 $0xFFFFC000  }
0x7e: {  	[tilespmem:s15], [sflag:$0x1] =	stream.indirect.gather [hbm4b:s5+s18], $0x80, s4, s18, $0xb8;
	[tilespmem:$0x1E000] =	vst v63  }
0x7f: {  	_ =	swait.ge [sflag:s21], $0x4000  }
0x80: {  	[sflag:s21] =	ssyncset.done $0x0  }
0x81: {  	p1 =	slt.u32 @!p0 s28, $0x3;
	[sflag:s21] =	ssyncadd.s32 $0xFFFFC000  }
0x82: {  	[spmem:s3] =	stream.indirect.scatter.add.f32 [tilespmem:s19], [sflag:$0x3], $0x80, s24, s18, $0xb8;
	[tilespmem:$0x1E000] =	vst v63  }
0x83: {  	p1 =	por p0, !p1;
	_ =	swait.ge [sflag:s16], $0x4000  }
.Ltmp2:
0x84: {  	[sflag:s16] =	ssyncset.done $0x0;
	(pc) =	sbr.rel @!p1 .LBB2_4-.Ltmp2, $4  }
0x85: {  	[sflag:s16] =	ssyncadd.s32 $0xFFFFC000  }
0x86: {  	_ =	swait.ge [sflag:s20], $0x4000  }
0x87: {  	[sflag:s20] =	ssyncset.done $0x0  }
0x88: {  	s28 =	sadd.s32 $0x1, s28;
	[sflag:s20] =	ssyncadd.s32 $0xFFFFC000  }
0x89: {  	s0 =	stileid.u32;
	s25 =	sadd.s32 $0x1, s25  }
0x8a: {  	[bflag:$0x0] =	sbarrier.arrive $0xFFFF;
	s0 =	sshll.u32 s0, $0x6;
	p1 =	sne.s32 s25, s10  }
.Ltmp3:
0x8b: {  	s1 =	sshrl.u32 s8, $0x3;
	s0 =	sor.u32 $0x1C03, s0;
	(pc) =	sbr.rel @p1 .LBB2_1-.Ltmp3, $4  }
0x8c: {  	[hbm:s9], [sflag:s0] =	dma.local [spmem:s1], $0x2800  }
0x8d: {  	_ =	swait.ge [sflag:s16], $0x2800  }
0x8e: {  	[sflag:s16] =	ssyncset.done $0x0  }
0x8f: {  	[sflag:s16] =	ssyncadd.s32 $0xFFFFD800  }
0x90: {  	_ =	sfence.sel $0x180000  }
0x91: {  	[bflag:$0x0] =	sbarrier.arrive $0xFFFF  }
0x92: {  	_ =	strace $0x9000004D  }
0x93: {  	s0 =	stileid.u32;
	[bflag:$0x2] =	sbarrier.arrive $0xFFFF  }
0x94: {  	p0 =	sne.s32 s0, $0x0;
	s0 =	rddreg [dreg:$0x3]  }
0x95: {  	s0 =	sadd.s32 @!p0 $0x100000, s0  }
0x96: {  	[sflag:s0] =	ssyncadd.tile.s32 @!p0 $0x1;
	_ =	shalt  }
.Lfunc_end2:
_tile_overlayer_lowered:
.L_overlay_start_2:
0x97: {  	(tag) =	ssettag $0x2  }
0x98: {  	s0 =	rddreg [dreg:$0x0];
	s2 =	stileid.u32  }
0x99: {  	s1 =	rddreg [dreg:$0x1];
	p0 =	sne.s32 s2, $0x0  }
0x9a: {  	s3 =	rddreg [dreg:$0x2];
	[bflag:$0x3] =	sbarrier.arrive $0xFFFF;
	s2 =	simm.s32 @!p0 $0x1C03  }
0x9b: {  	[timem:s3], [sflag:s2] =	dma.local @!p0 [hbm:s0], s1  }
0x9c: {  	s0 =	simm.s32 @!p0 $0x3  }
0x9d: {  	_ =	swait.ge @!p0 [sflag:s0], s1  }
0x9e: {  	s1 =	ssub.s32 @!p0 $0x0, s1;
	[sflag:s0] =	ssyncset.done @!p0 $0x0  }
0x9f: {  	[sflag:s0] =	ssyncadd.s32 @!p0 s1  }
0xa0: {  	[bflag:$0x3] =	sbarrier.arrive $0xFFFF  }
0xa1: {  	_ =	shalt  }

// kernel: kernel.8.cloned.1.call-start
scs
__scs_entry_jumppad:
0x0: {  	(pc) =	sbr.rel $0x88, $3  }
0x1: {  	(tag) =	ssettag $0x0;
	lr =	simm.s32 $0x1  }
0x2: {  	[smem:$0x3F9B] =	sst lr;
	_ =	strace $0xD0000000  }
0x3: {  	_ = 	snop  }
0x4: {  	_ = 	snop  }
0x5: {  	_ = 	snop  }
0x6: {  	_ = 	snop  }
0x7: {  	_ = 	snop  }
__scs_overlays_trampoline_lowered:
0x8: {  	[smem:$0x3FAA] =	sst s0  }
0x9: {  	[smem:$0x3FAB] =	sst s1  }
0xa: {  	[smem:$0x3FAC] =	sst s2  }
0xb: {  	[smem:$0x3FAD] =	sst s3  }
0xc: {  	[smem:$0x3FAE] =	sst s4  }
0xd: {  	[smem:$0x3FAF] =	sst s5  }
0xe: {  	[smem:$0x3FB0] =	sst s6  }
0xf: {  	[smem:$0x3FB1] =	sst s7  }
0x10: {  	[smem:$0x3FB2] =	sst s8  }
0x11: {  	[smem:$0x3FB3] =	sst s9;
	s0 =	simm.s32 @!p0 $0x0  }
0x12: {  	s1 =	sld [smem:$0x3F99];
	s0 =	simm.s32 @p0 $0x1  }
0x13: {  	[smem:$0x3FB4] =	sst s0;
	s0 =	simm.s32 @!p1 $0x0  }
0x14: {  	s2 =	sld [smem:$0x3F98];
	s0 =	simm.s32 @p1 $0x1  }
0x15: {  	[smem:$0x3FB5] =	sst s0;
	s0 =	simm.s32 @!p2 $0x0  }
0x16: {  	s3 =	sld [smem:$0x3FDB];
	s0 =	simm.s32 @p2 $0x1  }
0x17: {  	s4 =	simm.s32 $0x1BF5;
	[smem:$0x3FB7] =	sst s0  }
0x18: {  	s0 =	sld [smem:$0x3F9A];
	_ =	swait.ge [sflag:s4], $0x0  }
0x19: {  	s7 =	sld [smem:$0x3F9B]  }
0x1a: {  	s8 =	sadd.s32 $0xFFFFE003, lr  }
0x1b: {  	s9 =	sadd.s32 $0xFFFFFEF7, lr;
	s5 =	simm.s32 $0xFFFFFFFF;
	p2 =	slt.u32 s8, $0xFFFFF086  }
0x1c: {  	p1 =	slt.u32 s9, $0xF7A;
	s5 =	simm.s32 @!p2 $0x0  }
0x1d: {  	s5 =	simm.s32 @p1 $0x1;
	p0 =	seq.s32 s7, s2  }
0x1e: {  	s7 =	smul.u32 @!p0 $0xF7A, s2;
	p2 =	seq.s32 @!p0 s5, $0x0  }
0x1f: {  	s9 =	smul.u32 $0xF7A, s1;
	s8 =	simm.s32 @!p0 $0x1BF5;
	p2 =	por !p2, p0  }
0x20: {  	[sflag:s8] =	ssyncset.s32 @!p0 $0xFFFFF086;
	s6 =	sadd.s32 @!p0 s3, s7;
	s7 =	simm.s32 @!p0 $0x108  }
0x21: {  	s3 =	sadd.s32 s3, s9;
	s6 =	sadd.s32 @!p0 $0x88, s6;
	s7 =	simm.s32 @p2 $0x1082  }
0x22: {  	[simem:s7], [sflag:s8] =	dma.local @!p0 [hbm:s6], $0xF7A  }
0x23: {  	s9 =	sor.u32 $0xD0000000, s2;
	s6 =	simm.s32 $0x108;
	_ =	swait.ge @!p0 [sflag:s8], $0x0  }
0x24: {  	s3 =	sadd.s32 $0x88, s3;
	s6 =	simm.s32 @!p1 $0x1082;
	[sflag:s4] =	ssyncset.s32 $0xFFFFF086  }
0x25: {  	[simem:s6], [sflag:s4] =	dma.local [hbm:s3], $0xF7A  }
0x26: {  	[smem:$0x3F9B] =	sst s1;
	(tag) =	ssettag s2;
	_ =	strace s9  }
0x27: {  	s1 =	sld [smem:$0x3FAB]  }
0x28: {  	s2 =	sld [smem:$0x3FAC]  }
0x29: {  	s4 =	sld [smem:$0x3FAE]  }
0x2a: {  	p0 =	seq.s32 s5, $0x0;
	s5 =	sld [smem:$0x3FAF]  }
0x2b: {  	s6 =	sld [smem:$0x3FB0]  }
0x2c: {  	s7 =	sld [smem:$0x3FB1]  }
0x2d: {  	s3 =	simm.s32 $0x108;
	s8 =	sld [smem:$0x3FB2]  }
0x2e: {  	s3 =	simm.s32 @!p0 $0x1082;
	s9 =	sld [smem:$0x3FB3]  }
0x2f: {  	lr =	sadd.s32 s0, s3;
	s0 =	sld [smem:$0x3FAA]  }
0x30: {  	s3 =	sld [smem:$0x3FAD]  }
0x31: {  	[smem:$0x3FB6] =	sst s10  }
0x32: {  	s10 =	sld [smem:$0x3FB4];
	_ =	sdelay $0x3  }
0x33: {  	p0 =	seq.s32 s10, $0x1;
	s10 =	sld [smem:$0x3FB6];
	_ =	sdelay $0x3  }
0x34: {  	[smem:$0x3FB6] =	sst s10  }
0x35: {  	s10 =	sld [smem:$0x3FB5];
	_ =	sdelay $0x3  }
0x36: {  	p1 =	seq.s32 s10, $0x1;
	s10 =	sld [smem:$0x3FB6];
	_ =	sdelay $0x3  }
0x37: {  	[smem:$0x3FB6] =	sst s10  }
0x38: {  	s10 =	sld [smem:$0x3FB7]  }
0x39: {  	_ = 	snop;
	(pc) =	sbr.ind lr, $3  }
0x3a: {  	_ = 	snop  }
0x3b: {  	_ = 	snop  }
0x3c: {  	p2 =	seq.s32 s10, $0x1;
	s10 =	sld [smem:$0x3FB6]  }
0x3d: {  	_ =	shalt  }
0x3e: {  	_ =	shalt  }
0x3f: {  	_ =	shalt  }
0x40: {  	_ =	shalt  }
0x41: {  	_ =	shalt  }
0x42: {  	_ =	shalt  }
0x43: {  	_ =	shalt  }
0x44: {  	_ =	shalt  }
0x45: {  	_ =	shalt  }
0x46: {  	_ =	shalt  }
0x47: {  	_ =	shalt  }
0x48: {  	_ =	shalt  }
0x49: {  	_ =	shalt  }
0x4a: {  	_ =	shalt  }
0x4b: {  	_ =	shalt  }
0x4c: {  	_ =	shalt  }
0x4d: {  	_ =	shalt  }
0x4e: {  	_ =	shalt  }
0x4f: {  	_ =	shalt  }
0x50: {  	_ =	shalt  }
0x51: {  	_ =	shalt  }
0x52: {  	_ =	shalt  }
0x53: {  	_ =	shalt  }
0x54: {  	_ =	shalt  }
0x55: {  	_ =	shalt  }
0x56: {  	_ =	shalt  }
0x57: {  	_ =	shalt  }
0x58: {  	_ =	shalt  }
0x59: {  	_ =	shalt  }
0x5a: {  	_ =	shalt  }
0x5b: {  	_ =	shalt  }
0x5c: {  	_ =	shalt  }
0x5d: {  	_ =	shalt  }
0x5e: {  	_ =	shalt  }
0x5f: {  	_ =	shalt  }
0x60: {  	_ =	shalt  }
0x61: {  	_ =	shalt  }
0x62: {  	_ =	shalt  }
0x63: {  	_ =	shalt  }
0x64: {  	_ =	shalt  }
0x65: {  	_ =	shalt  }
0x66: {  	_ =	shalt  }
0x67: {  	_ =	shalt  }
0x68: {  	_ =	shalt  }
0x69: {  	_ =	shalt  }
0x6a: {  	_ =	shalt  }
0x6b: {  	_ =	shalt  }
0x6c: {  	_ =	shalt  }
0x6d: {  	_ =	shalt  }
0x6e: {  	_ =	shalt  }
0x6f: {  	_ =	shalt  }
0x70: {  	_ =	shalt  }
0x71: {  	_ =	shalt  }
0x72: {  	_ =	shalt  }
0x73: {  	_ =	shalt  }
0x74: {  	_ =	shalt  }
0x75: {  	_ =	shalt  }
0x76: {  	_ =	shalt  }
0x77: {  	_ =	shalt  }
0x78: {  	_ =	shalt  }
0x79: {  	_ =	shalt  }
0x7a: {  	_ =	shalt  }
0x7b: {  	_ =	shalt  }
0x7c: {  	_ =	shalt  }
0x7d: {  	_ =	shalt  }
0x7e: {  	_ =	shalt  }
0x7f: {  	_ =	shalt  }
0x80: {  	_ =	shalt  }
0x81: {  	_ =	shalt  }
0x82: {  	_ =	shalt  }
0x83: {  	_ =	shalt  }
0x84: {  	_ =	shalt  }
0x85: {  	_ =	shalt  }
0x86: {  	_ =	shalt  }
0x87: {  	_ =	shalt  }
.Lfunc_end0:
.L_simem_size_0:
called_computation_lowered:
.L_overlay_start_0:
0x88: {  	s2 =	sld [smem:$0x3FD9]  }
0x89: {  	s3 =	sld [smem:$0x3FFE];
	_ =	sdelay $0x1  }
0x8a: {  	s1 =	srdreg.scid  }
0x8b: {  	s0 =	sand.u32 $0x1, s1  }
0x8c: {  	s16 =	sshll.u32 s0, $0xA;
	s2 =	sadd.s32 s3, s2  }
0x8d: {  	s2 =	sadd.s32 s2, s16  }
0x8e: {  	[smem:$0x3FC2] =	sst s2  }
0x8f: {  	_ = 	snop  }
0x90: {  	(tm) =	ssettm $0x1  }
0x91: {  	s17 =	sld [smem:$0x3FFB];
	_ =	sdelay $0x3  }
0x92: {  	_ =	strace s17  }
0x93: {  	s2 =	sld [smem:$0x3FFC];
	_ =	sdelay $0x3  }
0x94: {  	_ =	strace s2  }
0x95: {  	s2 =	sld [smem:$0x3FFD];
	_ =	sdelay $0x3  }
0x96: {  	_ =	strace s2  }
0x97: {  	_ =	strace $0x8FFFFFFF  }
0x98: {  	s18 =	sld [smem:$0x3FDB];
	_ =	sdelay $0x1  }
0x99: {  	s19 =	simm.s32 $_scs_section_size  }
0x9a: {  	s4 =	simm.s32 $_size__tile_overlayer_lowered;
	s5 =	simm.s32 $_tile_overlayer_lowered  }
0x9b: {  	s22 =	simm.s32 $0x1BFF;
	s21 =	sshll.u32 s5, $0x1;
	s2 =	sadd.s32 s19, s18  }
0x9c: {  	s6 =	simm.s32 $0x0;
	s20 =	sshll.u32 s4, $0x1;
	s4 =	sadd.s32 s21, s2  }
0x9d: {  	[timem:s6], [sflag:s22] =	dma.local [hbm:s4], s20  }
0x9e: {  	_ =	swait.ge [sflag:s22], s20  }
0x9f: {  	s3 =	ssub.s32 $0x0, s20;
	[sflag:s22] =	ssyncset.done $0x0  }
0xa0: {  	[sflag:s22] =	ssyncadd.s32 s3;
	_ =	sdelay $0x1  }
0xa1: {  	s23 =	simm.s32 $0x1B8B  }
0xa2: {  	_ =	swait.ge [sflag:s23], $0x1  }
0xa3: {  	[sflag:s23] =	ssyncset.done $0x0  }
0xa4: {  	s25 =	simm.s32 $0x1B8E;
	s24 =	sld [smem:$0x3FFE];
	[sflag:s23] =	ssyncadd.s32 $0xFFFFFFFF  }
0xa5: {  	s26 =	simm.s32 $execute0_lowered;
	[smem:$0x3FD2] =	sst s25  }
0xa6: {  	s4 =	sshll.u32 s26, $0x1;
	_ =	strace $0x80000046;
	[dreg:$0x1] =	wrdreg $0xFFFFFFFF  }
0xa7: {  	s28 =	simm.s32 $_size_execute0_lowered;
	s2 =	sadd.s32 s2, s4;
	[dreg:$0x0] =	wrdreg $0x0  }
0xa8: {  	s4 =	sshll.u32 s28, $0x1;
	[dreg:$0x2] =	wrdreg s2  }
0xa9: {  	[dreg:$0x3] =	wrdreg s4  }
0xaa: {  	[dreg:$0x4] =	wrdreg $0xC0  }
0xab: {  	_ =	task [dreg:s6], $0x5FFFF  }
0xac: {  	[dreg:$0x1] =	wrdreg $0xFFFFFFFF  }
0xad: {  	[dreg:$0x0] =	wrdreg $0x60  }
0xae: {  	[dreg:$0x2] =	wrdreg s24  }
0xaf: {  	[dreg:$0x3] =	wrdreg $0x9  }
0xb0: {  	_ =	task.clear_ibuf [dreg:s6], $0x4FFFF;
	_ =	strace $0x90000046  }
0xb1: {  	s29 =	simm.s32 $0x9;
	_ =	strace $0x80000048  }
0xb2: {  	_ =	swait.ge [sflag:s29], $0x1  }
0xb3: {  	[sflag:s29] =	ssyncadd.s32 $0xFFFFFFFF  }
0xb4: {  	_ =	strace $0x90000048  }
0xb5: {  	_ =	sfence  }
0xb6: {  	s30 =	sld [smem:$0x0];
	_ =	sdelay $0x2  }
0xb7: {  	s31 =	sshll.u32 s1, $0xD;
	s1 =	sshrl.u32 s1, $0x2  }
0xb8: {  	s3 =	sand.u32 $0x4000, s31;
	s1 =	sadd.s32 s1, s30  }
0xb9: {  	s0 =	sor.u32 s3, s0;
	s1 =	sshll.u32 s1, $0x11  }
0xba: {  	s0 =	sor.u32 s1, s0  }
0xbb: {  	s0 =	sadd.s32 $0x8F2B, s0  }
0xbc: {  	[sflag:s0] =	ssyncadd.remote.s32 $0x1  }
0xbd: {  	_ =	sfence.sel $0xFFFF  }
0xbe: {  	[dreg:$0x0] =	wrdreg $0xFFFFFFFF;
	(pc) =	sbr.abs _section_cstart, $3  }
0xbf: {  	[dreg:$0x1] =	wrdreg $0xFFFFFFFF  }
0xc0: {  	_ =	task.clear_ibuf [dreg:s6], $0x2FFFF;
	_ =	strace $0x9FFFFFFF  }
0xc1: {  	(tm) =	ssettm $0x7FFFFFFF  }
tec
execute0_lowered:
.L_overlay_start_1:
0x0: {  	(tag) =	ssettag $0x1  }
0x1: {  	s1 =	srdreg.scid;
	s0 =	stileid.u32  }
0x2: {  	s3 =	rddreg [dreg:$0x0];
	s8 =	simm.s32 $0x80;
	s9 =	simm.s32 $0x400  }
0x3: {  	s4 =	sand.u32 $0x1, s1;
	s2 =	sshll.u32 s0, $0x1;
	s1 =	rddreg [dreg:$0x1]  }
0x4: {  	s6 =	sshrl.u32 s0, $0x2;
	s5 =	sor.u32 s4, s2;
	s2 =	simm.s32 $0x0  }
0x5: {  	s6 =	smul.u32 $0x14000, s6;
	s4 =	ssub.s32 $0x2, s4;
	s7 =	sshll.u32 s5, $0x7  }
0x6: {  	[smem:$0x7FF] =	sst s2;
	s5 =	smul.u32 $0x500, s5;
	s7 =	sand.u32 $0x380, s7  }
0x7: {  	s31 =	sshrl.u32 s4, $0x1;
	_ =	strace $0x80000047;
	s6 =	sor.u32 s6, s7  }
0x8: {  	s5 =	sadd.s32 s5, s3;
	s7 =	ssub.s32 s4, s31;
	s6 =	sshrl.u32 s6, $0x3  }
0x9: {  	s6 =	sadd.s32 s6, s3;
	s3 =	sadd.s32 $0x2800, s5;
	s5 =	smax.u32 s7, $0x1  }
0xa: {  	v0 =	vimm.f32 $0.0e+00;
	v1 =	vimm.f32 $1.000000000e+00;
	s7 =	simm.s32 $0x2800;
	s4 =	sadd.s32 $0xC800, s6;
	s6 =	simm.s32 $0x1  }
.LBB2_1:
0xb: {  	s10 =	simm.s32 $0x40;
	s11 =	simm.s32 $0x0  }
.LBB2_2:
0xc: {  	p0 =	sne.s32 s10, $0x9FC0;
	[tilespmem:s11+$0x2800] =	vst v0;
	s11 =	smov.u32 s10;
	s10 =	sadd.s32 $0x40, s10  }
.Ltmp0:
0xd: {  	(pc) =	sbr.rel @p0 .LBB2_2-.Ltmp0, $2  }
0xe: {  	_ =	sdelay $0x2  }
0xf: {  	s11 =	sshra.s32 s11, $0x2  }
0x10: {  	[tilespmem:s11+$0x2800] =	vst v0;
	s10 =	simm.s32 $0x0  }
0x11: {  	[tilespmem:s10], [sflag:$0x1] =	stream.linear.gather [hbm4b:s3+s10], $0x2800, $0x38;
	[tilespmem:$0x5000] =	vst v63  }
0x12: {  	_ =	swait.ge [sflag:s6], $0x2800  }
0x13: {  	[sflag:s6] =	ssyncset.done $0x0  }
0x14: {  	s11 =	simm.s32 $0x0;
	s10 =	simm.s32 $0x40;
	[sflag:s6] =	ssyncadd.s32 $0xFFFFD800  }
.LBB2_4:
0x15: {  	p0 =	sne.s32 s10, $0x9FC0;
	v2 =	vld [tilespmem:s11+$0x0];
	_ =	sdelay $0x3  }
.Ltmp1:
0x16: {  	(pc) =	sbr.rel @p0 .LBB2_4-.Ltmp1, $2  }
0x17: {  	_ =	sdelay $0x2  }
0x18: {  	s11 =	sshra.s32 s10, $0x2;
	s10 =	sadd.s32 $0x40, s10;
	[tilespmem:v2+s7+$0x0] =	vst.idx.add.f32.msk $0xffff, v1  }
0x19: {  	v2 =	vld [tilespmem:s11+$0x0];
	_ =	sdelay $0x5  }
0x1a: {  	s2 =	sadd.s32 $0x1, s2  }
0x1b: {  	p0 =	sne.s32 s2, s5  }
.Ltmp2:
0x1c: {  	[tilespmem:v2+s7+$0x0] =	vst.idx.add.f32.msk $0xffff, v1;
	(pc) =	sbr.rel @p0 .LBB2_1-.Ltmp2, $4  }
0x1d: {  	[hbm4b:s4+s8] =	stream.strided.scatter [tilespmem:s7], [sflag:$0x1], $0x2800, s9, s8, $0x38;
	[tilespmem:$0x5000] =	vst v63  }
0x1e: {  	_ =	swait.ge [sflag:s6], $0x2800  }
0x1f: {  	[sflag:s6] =	ssyncset.done $0x0  }
0x20: {  	[sflag:s6] =	ssyncadd.s32 $0xFFFFD800  }
0x21: {  	_ =	sfence.sel $0x180000  }
0x22: {  	[bflag:$0x0] =	sbarrier.arrive $0xFFFF  }
0x23: {  	p0 =	sne.s32 s0, $0x0;
	_ =	strace $0x90000047  }
0x24: {  	s0 =	sadd.s32 @!p0 $0x100000, s1;
	[bflag:$0x2] =	sbarrier.arrive $0xFFFF  }
0x25: {  	[sflag:s0] =	ssyncadd.tile.s32 @!p0 $0x1;
	_ =	shalt  }
.Lfunc_end2:
_tile_overlayer_lowered:
.L_overlay_start_2:
0x26: {  	(tag) =	ssettag $0x2  }
0x27: {  	s0 =	rddreg [dreg:$0x0];
	s2 =	stileid.u32  }
0x28: {  	s1 =	rddreg [dreg:$0x1];
	p0 =	sne.s32 s2, $0x0  }
0x29: {  	s3 =	rddreg [dreg:$0x2];
	[bflag:$0x3] =	sbarrier.arrive $0xFFFF;
	s2 =	simm.s32 @!p0 $0x1C01  }
0x2a: {  	[timem:s3], [sflag:s2] =	dma.local @!p0 [hbm:s0], s1  }
0x2b: {  	s0 =	simm.s32 @!p0 $0x1  }
0x2c: {  	_ =	swait.ge @!p0 [sflag:s0], s1  }
0x2d: {  	s1 =	ssub.s32 @!p0 $0x0, s1;
	[sflag:s0] =	ssyncset.done @!p0 $0x0  }
0x2e: {  	[sflag:s0] =	ssyncadd.s32 @!p0 s1  }
0x2f: {  	[bflag:$0x3] =	sbarrier.arrive $0xFFFF  }
0x30: {  	_ =	shalt  }

</sc_bundles>
